<compile_context>
chip_gen: v7x
topology: tpu7x:2x2x1
jax: 0.10.2.dev20260603
libtpu: 0.0.44.dev20260713+nightly
codegen_flags: <defaults>
</compile_context>

<pallas_src>
import functools

import jax
import jax.numpy as jnp
from jax import lax
from jax.experimental import pallas as pl
from jax.experimental.pallas import tpu as pltpu
from jax.experimental.pallas import tpu_sc as plsc

_NC, _NS = 2, 16
_NW = _NC * _NS
_CHUNK = 256
_NBUF = 4


@functools.lru_cache(maxsize=None)
def _make_gather(nrows, dim):
    rows_w = nrows // _NW
    n = rows_w // _CHUNK
    nidx = rows_w // 128
    s_per_c = _CHUNK // 128
    mesh = plsc.VectorSubcoreMesh(core_axis_name="c", subcore_axis_name="s")

    @functools.partial(
        pl.kernel,
        out_type=jax.ShapeDtypeStruct((nrows, dim), jnp.float32),
        mesh=mesh,
        scratch_types=[
            pltpu.VMEM((nidx, 128), jnp.int32),
            [pltpu.VMEM((_CHUNK, dim), jnp.float32) for _ in range(_NBUF)],
            [pltpu.SemaphoreType.DMA for _ in range(_NBUF)],
            [pltpu.SemaphoreType.DMA for _ in range(_NBUF)],
        ],
        compiler_params=pltpu.CompilerParams(
            use_tc_tiling_on_sc=False, needs_layout_passes=True
        ),
    )
    def gather(idx_hbm, table_hbm, out_hbm, idx_v, buf, sg, sw):
        wid = lax.axis_index("s") * _NC + lax.axis_index("c")
        i0 = pl.multiple_of(wid * nidx, 8)
        pltpu.sync_copy(idx_hbm.at[pl.ds(i0, nidx)], idx_v)

        def fire_g(k, b):
            for i in range(s_per_c):
                pltpu.async_copy(
                    table_hbm.at[idx_v.at[k * s_per_c + i]],
                    buf[b].at[pl.ds(i * 128, 128)],
                    sg[b],
                )

        def drain_g(b):
            for _ in range(s_per_c):
                pltpu.make_async_copy(
                    table_hbm.at[idx_v.at[0]], buf[b].at[pl.ds(0, 128)], sg[b]
                ).wait()

        def fire_w(k, b):
            r0 = pl.multiple_of(wid * rows_w + k * _CHUNK, 8)
            pltpu.async_copy(buf[b], out_hbm.at[pl.ds(r0, _CHUNK)], sw[b])

        def wait_w(b):
            pltpu.make_async_copy(
                buf[b], out_hbm.at[pl.ds(0, _CHUNK)], sw[b]
            ).wait()

        for b in range(_NBUF - 1):
            fire_g(b, b)

        @pl.loop(0, n // _NBUF)
        def _m(m):
            for s in range(_NBUF):
                k = m * _NBUF + s
                drain_g(s)
                fire_w(k, s)
                bn = (s + _NBUF - 1) % _NBUF

                @pl.when(jnp.logical_and(k >= 1, k < n - (_NBUF - 1)))
                def _wait():
                    wait_w(bn)

                @pl.when(k < n - (_NBUF - 1))
                def _fire():
                    fire_g(k + _NBUF - 1, bn)

        for b in range(_NBUF):
            wait_w(b)

    return gather


def kernel(indices, weight):
    batch, hist = indices.shape
    dim = weight.shape[1]
    nrows = batch * hist
    table = jnp.concatenate([weight, weight], axis=1).reshape(-1, dim)
    out = _make_gather(nrows, dim)(indices.reshape(-1, 128) * 2, table)
    return out.reshape(batch, hist, dim)

# --- scband reference (transcript-rebuilt; emitter-appended) ---
"""Pipeline reference for scband-embedding-39307540693680 (READ-ONLY COPY).

The authoritative reference and input builder live on the scoring server;
editing this copy changes nothing except your own understanding.
"""

import jax, jax.numpy as jnp
import numpy as np

VOCAB = 1000000
DIM = 64
PAD_ID = 0
BATCH = 16384
HIST = 50


def setup_inputs(seed: int = 0) -> dict:
    key = jax.random.key(seed)
    k_idx, k_w = jax.random.split(key)
    indices = jax.random.randint(k_idx, (BATCH, HIST), 0, VOCAB, dtype=jnp.int32)
    # nn.Embedding weight ~ N(0,1); padding_idx row zeroed at init
    weight = jax.random.normal(k_w, (VOCAB, DIM), dtype=jnp.float32)
    weight = weight.at[PAD_ID].set(0.0)
    return {"indices": indices, "weight": weight}


def reference(indices, weight):
    # nn.Embedding forward: pure row gather from the table
    return jnp.take(weight, indices, axis=0)

if __name__ == "__main__":
    import jax
    _d = setup_inputs()
    print(jax.jit(kernel)(*tuple(_d.values())))

</pallas_src>

<mosaic_0001>
#map = affine_map<(d0, d1) -> (0, 0)>
module attributes {stable_mosaic.version = 14 : i64} {
  func.func @gather(%arg0: i32, %arg1: i32, %arg2: memref<6400x128xi32, #tpu.memory_space<hbm>>, %arg3: memref<2000000x64xf32, #tpu.memory_space<hbm>>, %arg4: memref<819200x64xf32, #tpu.memory_space<hbm>>, %arg5: memref<200x128xi32, #tpu.memory_space<vmem>>, %arg6: memref<256x64xf32, #tpu.memory_space<vmem>>, %arg7: memref<256x64xf32, #tpu.memory_space<vmem>>, %arg8: memref<256x64xf32, #tpu.memory_space<vmem>>, %arg9: memref<256x64xf32, #tpu.memory_space<vmem>>, %arg10: memref<!tpu.dma_semaphore, #tpu.memory_space<semaphore_mem>>, %arg11: memref<!tpu.dma_semaphore, #tpu.memory_space<semaphore_mem>>, %arg12: memref<!tpu.dma_semaphore, #tpu.memory_space<semaphore_mem>>, %arg13: memref<!tpu.dma_semaphore, #tpu.memory_space<semaphore_mem>>, %arg14: memref<!tpu.dma_semaphore, #tpu.memory_space<semaphore_mem>>, %arg15: memref<!tpu.dma_semaphore, #tpu.memory_space<semaphore_mem>>, %arg16: memref<!tpu.dma_semaphore, #tpu.memory_space<semaphore_mem>>, %arg17: memref<!tpu.dma_semaphore, #tpu.memory_space<semaphore_mem>>) attributes {dimension_semantics = [#tpu.dimension_semantics<core_parallel>, #tpu.dimension_semantics<subcore_parallel>], iteration_bounds = array<i64: 2, 16>, scalar_prefetch = 0 : i64, scratch_operands = 13 : i64, tpu.core_type = #tpu.core_type<sc_vector_subcore>, window_params = [{transform_indices = #map}, {transform_indices = #map}, {transform_indices = #map}]} {
    %mul3A = arith.constant 2 : i32
    %mul3A_0 = arith.muli %arg1, %mul3A : i32
    %add3A = arith.addi %mul3A_0, %arg0 : i32
    %mul3A_1 = arith.constant 200 : i32
    %mul3A_2 = arith.muli %add3A, %mul3A_1 : i32
    %multiple_of3A = tpu.assume_multiple %mul3A_2, 8 : i32
    "tpu.region"() ({
      %run_scoped3A = tpu.sem_alloc : memref<!tpu.dma_semaphore, #tpu.memory_space<semaphore_mem>>
      %dma_start3A_89 = arith.constant 0 : i32
      %dma_start3A_90 = tpu.memref_slice %arg2[%multiple_of3A, %dma_start3A_89] : memref<6400x128xi32, #tpu.memory_space<hbm>> -> memref<200x128xi32, #tpu.memory_space<hbm>>
      %dma_start3A_91 = arith.constant 0 : i32
      %dma_start3A_92 = tpu.memref_slice %arg2[%multiple_of3A, %dma_start3A_91] : memref<6400x128xi32, #tpu.memory_space<hbm>> -> memref<200x128xi32, #tpu.memory_space<hbm>>
      tpu.enqueue_dma source(%dma_start3A_92 : memref<200x128xi32, #tpu.memory_space<hbm>>) target(%arg5 : memref<200x128xi32, #tpu.memory_space<vmem>>) target_semaphore(%run_scoped3A : memref<!tpu.dma_semaphore, #tpu.memory_space<semaphore_mem>>)
      %dma_wait3A_93 = arith.constant 0 : i32
      %dma_wait3A_94 = tpu.memref_slice %arg2[%multiple_of3A, %dma_wait3A_93] : memref<6400x128xi32, #tpu.memory_space<hbm>> -> memref<200x128xi32, #tpu.memory_space<hbm>>
      %dma_wait3A_95 = arith.constant 0 : i32
      %dma_wait3A_96 = tpu.memref_slice %arg2[%multiple_of3A, %dma_wait3A_95] : memref<6400x128xi32, #tpu.memory_space<hbm>> -> memref<200x128xi32, #tpu.memory_space<hbm>>
      tpu.wait_dma2 semaphore(%run_scoped3A : memref<!tpu.dma_semaphore, #tpu.memory_space<semaphore_mem>>) src(%dma_wait3A_96 : memref<200x128xi32, #tpu.memory_space<hbm>>) dst(%arg5 : memref<200x128xi32, #tpu.memory_space<vmem>>)
      tpu.yield
    }) : () -> ()
    %dma_start3A = arith.constant 0 : i32
    %dma_start3A_3 = arith.constant 0 : i32
    %dma_start3A_4 = arith.constant 0 : i32
    %dma_start3A_5 = tpu.memref_slice %arg6[%dma_start3A_3, %dma_start3A_4] : memref<256x64xf32, #tpu.memory_space<vmem>> -> memref<128x64xf32, #tpu.memory_space<vmem>>
    %dma_start3A_6 = arith.constant 0 : i32
    %dma_start3A_7 = tpu.memref_slice %arg5[%dma_start3A, %dma_start3A_6] : memref<200x128xi32, #tpu.memory_space<vmem>> -> memref<1x128xi32, #tpu.memory_space<vmem>>
    %dma_start3A_8 = tpu.memref_squeeze %dma_start3A_7 : memref<1x128xi32, #tpu.memory_space<vmem>> -> memref<128xi32, #tpu.memory_space<vmem>>
    %dma_start3A_9 = arith.constant 0 : i32
    %dma_start3A_10 = arith.constant 0 : i32
    %dma_start3A_11 = tpu.memref_slice %arg3[%dma_start3A_9, %dma_start3A_10] : memref<2000000x64xf32, #tpu.memory_space<hbm>> -> memref<2000000x64xf32, #tpu.memory_space<hbm>>
    tpu.enqueue_indirect_dma source(%dma_start3A_11 : memref<2000000x64xf32, #tpu.memory_space<hbm>>) target(%dma_start3A_5 : memref<128x64xf32, #tpu.memory_space<vmem>>) offsets(%dma_start3A_8 : memref<128xi32, #tpu.memory_space<vmem>>) semaphore(%arg10 : memref<!tpu.dma_semaphore, #tpu.memory_space<semaphore_mem>>)
    %dma_start3A_12 = arith.constant 1 : i32
    %dma_start3A_13 = arith.constant 128 : i32
    %dma_start3A_14 = arith.constant 0 : i32
    %dma_start3A_15 = tpu.memref_slice %arg6[%dma_start3A_13, %dma_start3A_14] : memref<256x64xf32, #tpu.memory_space<vmem>> -> memref<128x64xf32, #tpu.memory_space<vmem>>
    %dma_start3A_16 = arith.constant 0 : i32
    %dma_start3A_17 = tpu.memref_slice %arg5[%dma_start3A_12, %dma_start3A_16] : memref<200x128xi32, #tpu.memory_space<vmem>> -> memref<1x128xi32, #tpu.memory_space<vmem>>
    %dma_start3A_18 = tpu.memref_squeeze %dma_start3A_17 : memref<1x128xi32, #tpu.memory_space<vmem>> -> memref<128xi32, #tpu.memory_space<vmem>>
    %dma_start3A_19 = arith.constant 0 : i32
    %dma_start3A_20 = arith.constant 0 : i32
    %dma_start3A_21 = tpu.memref_slice %arg3[%dma_start3A_19, %dma_start3A_20] : memref<2000000x64xf32, #tpu.memory_space<hbm>> -> memref<2000000x64xf32, #tpu.memory_space<hbm>>
    tpu.enqueue_indirect_dma source(%dma_start3A_21 : memref<2000000x64xf32, #tpu.memory_space<hbm>>) target(%dma_start3A_15 : memref<128x64xf32, #tpu.memory_space<vmem>>) offsets(%dma_start3A_18 : memref<128xi32, #tpu.memory_space<vmem>>) semaphore(%arg10 : memref<!tpu.dma_semaphore, #tpu.memory_space<semaphore_mem>>)
    %dma_start3A_22 = arith.constant 2 : i32
    %dma_start3A_23 = arith.constant 0 : i32
    %dma_start3A_24 = arith.constant 0 : i32
    %dma_start3A_25 = tpu.memref_slice %arg7[%dma_start3A_23, %dma_start3A_24] : memref<256x64xf32, #tpu.memory_space<vmem>> -> memref<128x64xf32, #tpu.memory_space<vmem>>
    %dma_start3A_26 = arith.constant 0 : i32
    %dma_start3A_27 = tpu.memref_slice %arg5[%dma_start3A_22, %dma_start3A_26] : memref<200x128xi32, #tpu.memory_space<vmem>> -> memref<1x128xi32, #tpu.memory_space<vmem>>
    %dma_start3A_28 = tpu.memref_squeeze %dma_start3A_27 : memref<1x128xi32, #tpu.memory_space<vmem>> -> memref<128xi32, #tpu.memory_space<vmem>>
    %dma_start3A_29 = arith.constant 0 : i32
    %dma_start3A_30 = arith.constant 0 : i32
    %dma_start3A_31 = tpu.memref_slice %arg3[%dma_start3A_29, %dma_start3A_30] : memref<2000000x64xf32, #tpu.memory_space<hbm>> -> memref<2000000x64xf32, #tpu.memory_space<hbm>>
    tpu.enqueue_indirect_dma source(%dma_start3A_31 : memref<2000000x64xf32, #tpu.memory_space<hbm>>) target(%dma_start3A_25 : memref<128x64xf32, #tpu.memory_space<vmem>>) offsets(%dma_start3A_28 : memref<128xi32, #tpu.memory_space<vmem>>) semaphore(%arg11 : memref<!tpu.dma_semaphore, #tpu.memory_space<semaphore_mem>>)
    %dma_start3A_32 = arith.constant 3 : i32
    %dma_start3A_33 = arith.constant 128 : i32
    %dma_start3A_34 = arith.constant 0 : i32
    %dma_start3A_35 = tpu.memref_slice %arg7[%dma_start3A_33, %dma_start3A_34] : memref<256x64xf32, #tpu.memory_space<vmem>> -> memref<128x64xf32, #tpu.memory_space<vmem>>
    %dma_start3A_36 = arith.constant 0 : i32
    %dma_start3A_37 = tpu.memref_slice %arg5[%dma_start3A_32, %dma_start3A_36] : memref<200x128xi32, #tpu.memory_space<vmem>> -> memref<1x128xi32, #tpu.memory_space<vmem>>
    %dma_start3A_38 = tpu.memref_squeeze %dma_start3A_37 : memref<1x128xi32, #tpu.memory_space<vmem>> -> memref<128xi32, #tpu.memory_space<vmem>>
    %dma_start3A_39 = arith.constant 0 : i32
    %dma_start3A_40 = arith.constant 0 : i32
    %dma_start3A_41 = tpu.memref_slice %arg3[%dma_start3A_39, %dma_start3A_40] : memref<2000000x64xf32, #tpu.memory_space<hbm>> -> memref<2000000x64xf32, #tpu.memory_space<hbm>>
    tpu.enqueue_indirect_dma source(%dma_start3A_41 : memref<2000000x64xf32, #tpu.memory_space<hbm>>) target(%dma_start3A_35 : memref<128x64xf32, #tpu.memory_space<vmem>>) offsets(%dma_start3A_38 : memref<128xi32, #tpu.memory_space<vmem>>) semaphore(%arg11 : memref<!tpu.dma_semaphore, #tpu.memory_space<semaphore_mem>>)
    %dma_start3A_42 = arith.constant 4 : i32
    %dma_start3A_43 = arith.constant 0 : i32
    %dma_start3A_44 = arith.constant 0 : i32
    %dma_start3A_45 = tpu.memref_slice %arg8[%dma_start3A_43, %dma_start3A_44] : memref<256x64xf32, #tpu.memory_space<vmem>> -> memref<128x64xf32, #tpu.memory_space<vmem>>
    %dma_start3A_46 = arith.constant 0 : i32
    %dma_start3A_47 = tpu.memref_slice %arg5[%dma_start3A_42, %dma_start3A_46] : memref<200x128xi32, #tpu.memory_space<vmem>> -> memref<1x128xi32, #tpu.memory_space<vmem>>
    %dma_start3A_48 = tpu.memref_squeeze %dma_start3A_47 : memref<1x128xi32, #tpu.memory_space<vmem>> -> memref<128xi32, #tpu.memory_space<vmem>>
    %dma_start3A_49 = arith.constant 0 : i32
    %dma_start3A_50 = arith.constant 0 : i32
    %dma_start3A_51 = tpu.memref_slice %arg3[%dma_start3A_49, %dma_start3A_50] : memref<2000000x64xf32, #tpu.memory_space<hbm>> -> memref<2000000x64xf32, #tpu.memory_space<hbm>>
    tpu.enqueue_indirect_dma source(%dma_start3A_51 : memref<2000000x64xf32, #tpu.memory_space<hbm>>) target(%dma_start3A_45 : memref<128x64xf32, #tpu.memory_space<vmem>>) offsets(%dma_start3A_48 : memref<128xi32, #tpu.memory_space<vmem>>) semaphore(%arg12 : memref<!tpu.dma_semaphore, #tpu.memory_space<semaphore_mem>>)
    %dma_start3A_52 = arith.constant 5 : i32
    %dma_start3A_53 = arith.constant 128 : i32
    %dma_start3A_54 = arith.constant 0 : i32
    %dma_start3A_55 = tpu.memref_slice %arg8[%dma_start3A_53, %dma_start3A_54] : memref<256x64xf32, #tpu.memory_space<vmem>> -> memref<128x64xf32, #tpu.memory_space<vmem>>
    %dma_start3A_56 = arith.constant 0 : i32
    %dma_start3A_57 = tpu.memref_slice %arg5[%dma_start3A_52, %dma_start3A_56] : memref<200x128xi32, #tpu.memory_space<vmem>> -> memref<1x128xi32, #tpu.memory_space<vmem>>
    %dma_start3A_58 = tpu.memref_squeeze %dma_start3A_57 : memref<1x128xi32, #tpu.memory_space<vmem>> -> memref<128xi32, #tpu.memory_space<vmem>>
    %dma_start3A_59 = arith.constant 0 : i32
    %dma_start3A_60 = arith.constant 0 : i32
    %dma_start3A_61 = tpu.memref_slice %arg3[%dma_start3A_59, %dma_start3A_60] : memref<2000000x64xf32, #tpu.memory_space<hbm>> -> memref<2000000x64xf32, #tpu.memory_space<hbm>>
    tpu.enqueue_indirect_dma source(%dma_start3A_61 : memref<2000000x64xf32, #tpu.memory_space<hbm>>) target(%dma_start3A_55 : memref<128x64xf32, #tpu.memory_space<vmem>>) offsets(%dma_start3A_58 : memref<128xi32, #tpu.memory_space<vmem>>) semaphore(%arg12 : memref<!tpu.dma_semaphore, #tpu.memory_space<semaphore_mem>>)
    %scan3A = arith.constant 0 : i32
    %scan3A_62 = arith.constant 25 : i32
    %scan3A_63 = arith.addi %scan3A, %scan3A_62 : i32
    %scan3A_64 = arith.constant 1 : i32
    scf.for %scan3A_89 = %scan3A to %scan3A_63 step %scan3A_64  : i32 {
      %mul3A_90 = arith.constant 1 : i32
      %mul3A_91 = arith.muli %scan3A_89, %mul3A_90 : i32
      %add3A_92 = arith.constant 0 : i32
      %add3A_93 = arith.addi %add3A_92, %mul3A_91 : i32
      %mul3A_94 = arith.constant 4 : i32
      %mul3A_95 = arith.muli %add3A_93, %mul3A_94 : i32
      %add3A_96 = arith.constant 0 : i32
      %add3A_97 = arith.addi %mul3A_95, %add3A_96 : i32
      %dma_wait3A_98 = arith.constant 0 : i32
      %dma_wait3A_99 = arith.constant 0 : i32
      %dma_wait3A_100 = arith.constant 0 : i32
      %dma_wait3A_101 = tpu.memref_slice %arg6[%dma_wait3A_99, %dma_wait3A_100] : memref<256x64xf32, #tpu.memory_space<vmem>> -> memref<128x64xf32, #tpu.memory_space<vmem>>
      %dma_wait3A_102 = arith.constant 0 : i32
      %dma_wait3A_103 = tpu.memref_slice %arg5[%dma_wait3A_98, %dma_wait3A_102] : memref<200x128xi32, #tpu.memory_space<vmem>> -> memref<1x128xi32, #tpu.memory_space<vmem>>
      %dma_wait3A_104 = tpu.memref_squeeze %dma_wait3A_103 : memref<1x128xi32, #tpu.memory_space<vmem>> -> memref<128xi32, #tpu.memory_space<vmem>>
      %dma_wait3A_105 = arith.constant 0 : i32
      %dma_wait3A_106 = arith.constant 0 : i32
      %dma_wait3A_107 = tpu.memref_slice %arg3[%dma_wait3A_105, %dma_wait3A_106] : memref<2000000x64xf32, #tpu.memory_space<hbm>> -> memref<2000000x64xf32, #tpu.memory_space<hbm>>
      tpu.wait_indirect_dma semaphore(%arg10 : memref<!tpu.dma_semaphore, #tpu.memory_space<semaphore_mem>>) src(%dma_wait3A_107 : memref<2000000x64xf32, #tpu.memory_space<hbm>>) dst(%dma_wait3A_101 : memref<128x64xf32, #tpu.memory_space<vmem>>)
      %dma_wait3A_108 = arith.constant 0 : i32
      %dma_wait3A_109 = arith.constant 0 : i32
      %dma_wait3A_110 = arith.constant 0 : i32
      %dma_wait3A_111 = tpu.memref_slice %arg6[%dma_wait3A_109, %dma_wait3A_110] : memref<256x64xf32, #tpu.memory_space<vmem>> -> memref<128x64xf32, #tpu.memory_space<vmem>>
      %dma_wait3A_112 = arith.constant 0 : i32
      %dma_wait3A_113 = tpu.memref_slice %arg5[%dma_wait3A_108, %dma_wait3A_112] : memref<200x128xi32, #tpu.memory_space<vmem>> -> memref<1x128xi32, #tpu.memory_space<vmem>>
      %dma_wait3A_114 = tpu.memref_squeeze %dma_wait3A_113 : memref<1x128xi32, #tpu.memory_space<vmem>> -> memref<128xi32, #tpu.memory_space<vmem>>
      %dma_wait3A_115 = arith.constant 0 : i32
      %dma_wait3A_116 = arith.constant 0 : i32
      %dma_wait3A_117 = tpu.memref_slice %arg3[%dma_wait3A_115, %dma_wait3A_116] : memref<2000000x64xf32, #tpu.memory_space<hbm>> -> memref<2000000x64xf32, #tpu.memory_space<hbm>>
      tpu.wait_indirect_dma semaphore(%arg10 : memref<!tpu.dma_semaphore, #tpu.memory_space<semaphore_mem>>) src(%dma_wait3A_117 : memref<2000000x64xf32, #tpu.memory_space<hbm>>) dst(%dma_wait3A_111 : memref<128x64xf32, #tpu.memory_space<vmem>>)
      %mul3A_118 = arith.constant 25600 : i32
      %mul3A_119 = arith.muli %add3A, %mul3A_118 : i32
      %mul3A_120 = arith.constant 256 : i32
      %mul3A_121 = arith.muli %add3A_97, %mul3A_120 : i32
      %add3A_122 = arith.addi %mul3A_119, %mul3A_121 : i32
      %multiple_of3A_123 = tpu.assume_multiple %add3A_122, 8 : i32
      %dma_start3A_124 = arith.constant 0 : i32
      %dma_start3A_125 = tpu.memref_slice %arg4[%multiple_of3A_123, %dma_start3A_124] : memref<819200x64xf32, #tpu.memory_space<hbm>> -> memref<256x64xf32, #tpu.memory_space<hbm>>
      %dma_start3A_126 = arith.constant 0 : i32
      %dma_start3A_127 = tpu.memref_slice %arg4[%multiple_of3A_123, %dma_start3A_126] : memref<819200x64xf32, #tpu.memory_space<hbm>> -> memref<256x64xf32, #tpu.memory_space<hbm>>
      tpu.enqueue_dma source(%arg6 : memref<256x64xf32, #tpu.memory_space<vmem>>) target(%dma_start3A_127 : memref<256x64xf32, #tpu.memory_space<hbm>>) target_semaphore(%arg14 : memref<!tpu.dma_semaphore, #tpu.memory_space<semaphore_mem>>)
      %ge3A = arith.constant 1 : i32
      %ge3A_128 = arith.cmpi sge, %add3A_97, %ge3A : i32
      %lt3A = arith.constant 97 : i32
      %lt3A_129 = arith.cmpi slt, %add3A_97, %lt3A : i32
      %and3A = arith.andi %ge3A_128, %lt3A_129 : i1
      %convert_element_type3A = arith.extui %and3A : i1 to i32
      %cond3A = arith.constant 0 : i32
      %cond3A_130 = arith.cmpi ne, %convert_element_type3A, %cond3A : i32
      scf.if %cond3A_130 {
        %dma_wait3A_277 = arith.constant 0 : i32
        %dma_wait3A_278 = arith.constant 0 : i32
        %dma_wait3A_279 = tpu.memref_slice %arg4[%dma_wait3A_277, %dma_wait3A_278] : memref<819200x64xf32, #tpu.memory_space<hbm>> -> memref<256x64xf32, #tpu.memory_space<hbm>>
        %dma_wait3A_280 = arith.constant 0 : i32
        %dma_wait3A_281 = arith.constant 0 : i32
        %dma_wait3A_282 = tpu.memref_slice %arg4[%dma_wait3A_280, %dma_wait3A_281] : memref<819200x64xf32, #tpu.memory_space<hbm>> -> memref<256x64xf32, #tpu.memory_space<hbm>>
        tpu.wait_dma2 semaphore(%arg17 : memref<!tpu.dma_semaphore, #tpu.memory_space<semaphore_mem>>) src(%arg9 : memref<256x64xf32, #tpu.memory_space<vmem>>) dst(%dma_wait3A_282 : memref<256x64xf32, #tpu.memory_space<hbm>>)
      } else {
      }
      %lt3A_131 = arith.constant 97 : i32
      %lt3A_132 = arith.cmpi slt, %add3A_97, %lt3A_131 : i32
      %convert_element_type3A_133 = arith.extui %lt3A_132 : i1 to i32
      %cond3A_134 = arith.constant 0 : i32
      %cond3A_135 = arith.cmpi ne, %convert_element_type3A_133, %cond3A_134 : i32
      scf.if %cond3A_135 {
        %add3A_277 = arith.constant 4 : i32
        %add3A_278 = arith.addi %add3A_97, %add3A_277 : i32
        %sub3A = arith.constant 1 : i32
        %sub3A_279 = arith.subi %add3A_278, %sub3A : i32
        %mul3A_280 = arith.constant 2 : i32
        %mul3A_281 = arith.muli %sub3A_279, %mul3A_280 : i32
        %add3A_282 = arith.constant 0 : i32
        %add3A_283 = arith.addi %mul3A_281, %add3A_282 : i32
        %dma_start3A_284 = arith.constant 0 : i32
        %dma_start3A_285 = arith.constant 0 : i32
        %dma_start3A_286 = tpu.memref_slice %arg9[%dma_start3A_284, %dma_start3A_285] : memref<256x64xf32, #tpu.memory_space<vmem>> -> memref<128x64xf32, #tpu.memory_space<vmem>>
        %dma_start3A_287 = arith.constant 0 : i32
        %dma_start3A_288 = tpu.memref_slice %arg5[%add3A_283, %dma_start3A_287] : memref<200x128xi32, #tpu.memory_space<vmem>> -> memref<1x128xi32, #tpu.memory_space<vmem>>
        %dma_start3A_289 = tpu.memref_squeeze %dma_start3A_288 : memref<1x128xi32, #tpu.memory_space<vmem>> -> memref<128xi32, #tpu.memory_space<vmem>>
        %dma_start3A_290 = arith.constant 0 : i32
        %dma_start3A_291 = arith.constant 0 : i32
        %dma_start3A_292 = tpu.memref_slice %arg3[%dma_start3A_290, %dma_start3A_291] : memref<2000000x64xf32, #tpu.memory_space<hbm>> -> memref<2000000x64xf32, #tpu.memory_space<hbm>>
        tpu.enqueue_indirect_dma source(%dma_start3A_292 : memref<2000000x64xf32, #tpu.memory_space<hbm>>) target(%dma_start3A_286 : memref<128x64xf32, #tpu.memory_space<vmem>>) offsets(%dma_start3A_289 : memref<128xi32, #tpu.memory_space<vmem>>) semaphore(%arg13 : memref<!tpu.dma_semaphore, #tpu.memory_space<semaphore_mem>>)
        %mul3A_293 = arith.constant 2 : i32
        %mul3A_294 = arith.muli %sub3A_279, %mul3A_293 : i32
        %add3A_295 = arith.constant 1 : i32
        %add3A_296 = arith.addi %mul3A_294, %add3A_295 : i32
        %dma_start3A_297 = arith.constant 128 : i32
        %dma_start3A_298 = arith.constant 0 : i32
        %dma_start3A_299 = tpu.memref_slice %arg9[%dma_start3A_297, %dma_start3A_298] : memref<256x64xf32, #tpu.memory_space<vmem>> -> memref<128x64xf32, #tpu.memory_space<vmem>>
        %dma_start3A_300 = arith.constant 0 : i32
        %dma_start3A_301 = tpu.memref_slice %arg5[%add3A_296, %dma_start3A_300] : memref<200x128xi32, #tpu.memory_space<vmem>> -> memref<1x128xi32, #tpu.memory_space<vmem>>
        %dma_start3A_302 = tpu.memref_squeeze %dma_start3A_301 : memref<1x128xi32, #tpu.memory_space<vmem>> -> memref<128xi32, #tpu.memory_space<vmem>>
        %dma_start3A_303 = arith.constant 0 : i32
        %dma_start3A_304 = arith.constant 0 : i32
        %dma_start3A_305 = tpu.memref_slice %arg3[%dma_start3A_303, %dma_start3A_304] : memref<2000000x64xf32, #tpu.memory_space<hbm>> -> memref<2000000x64xf32, #tpu.memory_space<hbm>>
        tpu.enqueue_indirect_dma source(%dma_start3A_305 : memref<2000000x64xf32, #tpu.memory_space<hbm>>) target(%dma_start3A_299 : memref<128x64xf32, #tpu.memory_space<vmem>>) offsets(%dma_start3A_302 : memref<128xi32, #tpu.memory_space<vmem>>) semaphore(%arg13 : memref<!tpu.dma_semaphore, #tpu.memory_space<semaphore_mem>>)
      } else {
      }
      %mul3A_136 = arith.constant 4 : i32
      %mul3A_137 = arith.muli %add3A_93, %mul3A_136 : i32
      %add3A_138 = arith.constant 1 : i32
      %add3A_139 = arith.addi %mul3A_137, %add3A_138 : i32
      %dma_wait3A_140 = arith.constant 0 : i32
      %dma_wait3A_141 = arith.constant 0 : i32
      %dma_wait3A_142 = arith.constant 0 : i32
      %dma_wait3A_143 = tpu.memref_slice %arg7[%dma_wait3A_141, %dma_wait3A_142] : memref<256x64xf32, #tpu.memory_space<vmem>> -> memref<128x64xf32, #tpu.memory_space<vmem>>
      %dma_wait3A_144 = arith.constant 0 : i32
      %dma_wait3A_145 = tpu.memref_slice %arg5[%dma_wait3A_140, %dma_wait3A_144] : memref<200x128xi32, #tpu.memory_space<vmem>> -> memref<1x128xi32, #tpu.memory_space<vmem>>
      %dma_wait3A_146 = tpu.memref_squeeze %dma_wait3A_145 : memref<1x128xi32, #tpu.memory_space<vmem>> -> memref<128xi32, #tpu.memory_space<vmem>>
      %dma_wait3A_147 = arith.constant 0 : i32
      %dma_wait3A_148 = arith.constant 0 : i32
      %dma_wait3A_149 = tpu.memref_slice %arg3[%dma_wait3A_147, %dma_wait3A_148] : memref<2000000x64xf32, #tpu.memory_space<hbm>> -> memref<2000000x64xf32, #tpu.memory_space<hbm>>
      tpu.wait_indirect_dma semaphore(%arg11 : memref<!tpu.dma_semaphore, #tpu.memory_space<semaphore_mem>>) src(%dma_wait3A_149 : memref<2000000x64xf32, #tpu.memory_space<hbm>>) dst(%dma_wait3A_143 : memref<128x64xf32, #tpu.memory_space<vmem>>)
      %dma_wait3A_150 = arith.constant 0 : i32
      %dma_wait3A_151 = arith.constant 0 : i32
      %dma_wait3A_152 = arith.constant 0 : i32
      %dma_wait3A_153 = tpu.memref_slice %arg7[%dma_wait3A_151, %dma_wait3A_152] : memref<256x64xf32, #tpu.memory_space<vmem>> -> memref<128x64xf32, #tpu.memory_space<vmem>>
      %dma_wait3A_154 = arith.constant 0 : i32
      %dma_wait3A_155 = tpu.memref_slice %arg5[%dma_wait3A_150, %dma_wait3A_154] : memref<200x128xi32, #tpu.memory_space<vmem>> -> memref<1x128xi32, #tpu.memory_space<vmem>>
      %dma_wait3A_156 = tpu.memref_squeeze %dma_wait3A_155 : memref<1x128xi32, #tpu.memory_space<vmem>> -> memref<128xi32, #tpu.memory_space<vmem>>
      %dma_wait3A_157 = arith.constant 0 : i32
      %dma_wait3A_158 = arith.constant 0 : i32
      %dma_wait3A_159 = tpu.memref_slice %arg3[%dma_wait3A_157, %dma_wait3A_158] : memref<2000000x64xf32, #tpu.memory_space<hbm>> -> memref<2000000x64xf32, #tpu.memory_space<hbm>>
      tpu.wait_indirect_dma semaphore(%arg11 : memref<!tpu.dma_semaphore, #tpu.memory_space<semaphore_mem>>) src(%dma_wait3A_159 : memref<2000000x64xf32, #tpu.memory_space<hbm>>) dst(%dma_wait3A_153 : memref<128x64xf32, #tpu.memory_space<vmem>>)
      %mul3A_160 = arith.constant 25600 : i32
      %mul3A_161 = arith.muli %add3A, %mul3A_160 : i32
      %mul3A_162 = arith.constant 256 : i32
      %mul3A_163 = arith.muli %add3A_139, %mul3A_162 : i32
      %add3A_164 = arith.addi %mul3A_161, %mul3A_163 : i32
      %multiple_of3A_165 = tpu.assume_multiple %add3A_164, 8 : i32
      %dma_start3A_166 = arith.constant 0 : i32
      %dma_start3A_167 = tpu.memref_slice %arg4[%multiple_of3A_165, %dma_start3A_166] : memref<819200x64xf32, #tpu.memory_space<hbm>> -> memref<256x64xf32, #tpu.memory_space<hbm>>
      %dma_start3A_168 = arith.constant 0 : i32
      %dma_start3A_169 = tpu.memref_slice %arg4[%multiple_of3A_165, %dma_start3A_168] : memref<819200x64xf32, #tpu.memory_space<hbm>> -> memref<256x64xf32, #tpu.memory_space<hbm>>
      tpu.enqueue_dma source(%arg7 : memref<256x64xf32, #tpu.memory_space<vmem>>) target(%dma_start3A_169 : memref<256x64xf32, #tpu.memory_space<hbm>>) target_semaphore(%arg15 : memref<!tpu.dma_semaphore, #tpu.memory_space<semaphore_mem>>)
      %ge3A_170 = arith.constant 1 : i32
      %ge3A_171 = arith.cmpi sge, %add3A_139, %ge3A_170 : i32
      %lt3A_172 = arith.constant 97 : i32
      %lt3A_173 = arith.cmpi slt, %add3A_139, %lt3A_172 : i32
      %and3A_174 = arith.andi %ge3A_171, %lt3A_173 : i1
      %convert_element_type3A_175 = arith.extui %and3A_174 : i1 to i32
      %cond3A_176 = arith.constant 0 : i32
      %cond3A_177 = arith.cmpi ne, %convert_element_type3A_175, %cond3A_176 : i32
      scf.if %cond3A_177 {
        %dma_wait3A_277 = arith.constant 0 : i32
        %dma_wait3A_278 = arith.constant 0 : i32
        %dma_wait3A_279 = tpu.memref_slice %arg4[%dma_wait3A_277, %dma_wait3A_278] : memref<819200x64xf32, #tpu.memory_space<hbm>> -> memref<256x64xf32, #tpu.memory_space<hbm>>
        %dma_wait3A_280 = arith.constant 0 : i32
        %dma_wait3A_281 = arith.constant 0 : i32
        %dma_wait3A_282 = tpu.memref_slice %arg4[%dma_wait3A_280, %dma_wait3A_281] : memref<819200x64xf32, #tpu.memory_space<hbm>> -> memref<256x64xf32, #tpu.memory_space<hbm>>
        tpu.wait_dma2 semaphore(%arg14 : memref<!tpu.dma_semaphore, #tpu.memory_space<semaphore_mem>>) src(%arg6 : memref<256x64xf32, #tpu.memory_space<vmem>>) dst(%dma_wait3A_282 : memref<256x64xf32, #tpu.memory_space<hbm>>)
      } else {
      }
      %lt3A_178 = arith.constant 97 : i32
      %lt3A_179 = arith.cmpi slt, %add3A_139, %lt3A_178 : i32
      %convert_element_type3A_180 = arith.extui %lt3A_179 : i1 to i32
      %cond3A_181 = arith.constant 0 : i32
      %cond3A_182 = arith.cmpi ne, %convert_element_type3A_180, %cond3A_181 : i32
      scf.if %cond3A_182 {
        %add3A_277 = arith.constant 4 : i32
        %add3A_278 = arith.addi %add3A_139, %add3A_277 : i32
        %sub3A = arith.constant 1 : i32
        %sub3A_279 = arith.subi %add3A_278, %sub3A : i32
        %mul3A_280 = arith.constant 2 : i32
        %mul3A_281 = arith.muli %sub3A_279, %mul3A_280 : i32
        %add3A_282 = arith.constant 0 : i32
        %add3A_283 = arith.addi %mul3A_281, %add3A_282 : i32
        %dma_start3A_284 = arith.constant 0 : i32
        %dma_start3A_285 = arith.constant 0 : i32
        %dma_start3A_286 = tpu.memref_slice %arg6[%dma_start3A_284, %dma_start3A_285] : memref<256x64xf32, #tpu.memory_space<vmem>> -> memref<128x64xf32, #tpu.memory_space<vmem>>
        %dma_start3A_287 = arith.constant 0 : i32
        %dma_start3A_288 = tpu.memref_slice %arg5[%add3A_283, %dma_start3A_287] : memref<200x128xi32, #tpu.memory_space<vmem>> -> memref<1x128xi32, #tpu.memory_space<vmem>>
        %dma_start3A_289 = tpu.memref_squeeze %dma_start3A_288 : memref<1x128xi32, #tpu.memory_space<vmem>> -> memref<128xi32, #tpu.memory_space<vmem>>
        %dma_start3A_290 = arith.constant 0 : i32
        %dma_start3A_291 = arith.constant 0 : i32
        %dma_start3A_292 = tpu.memref_slice %arg3[%dma_start3A_290, %dma_start3A_291] : memref<2000000x64xf32, #tpu.memory_space<hbm>> -> memref<2000000x64xf32, #tpu.memory_space<hbm>>
        tpu.enqueue_indirect_dma source(%dma_start3A_292 : memref<2000000x64xf32, #tpu.memory_space<hbm>>) target(%dma_start3A_286 : memref<128x64xf32, #tpu.memory_space<vmem>>) offsets(%dma_start3A_289 : memref<128xi32, #tpu.memory_space<vmem>>) semaphore(%arg10 : memref<!tpu.dma_semaphore, #tpu.memory_space<semaphore_mem>>)
        %mul3A_293 = arith.constant 2 : i32
        %mul3A_294 = arith.muli %sub3A_279, %mul3A_293 : i32
        %add3A_295 = arith.constant 1 : i32
        %add3A_296 = arith.addi %mul3A_294, %add3A_295 : i32
        %dma_start3A_297 = arith.constant 128 : i32
        %dma_start3A_298 = arith.constant 0 : i32
        %dma_start3A_299 = tpu.memref_slice %arg6[%dma_start3A_297, %dma_start3A_298] : memref<256x64xf32, #tpu.memory_space<vmem>> -> memref<128x64xf32, #tpu.memory_space<vmem>>
        %dma_start3A_300 = arith.constant 0 : i32
        %dma_start3A_301 = tpu.memref_slice %arg5[%add3A_296, %dma_start3A_300] : memref<200x128xi32, #tpu.memory_space<vmem>> -> memref<1x128xi32, #tpu.memory_space<vmem>>
        %dma_start3A_302 = tpu.memref_squeeze %dma_start3A_301 : memref<1x128xi32, #tpu.memory_space<vmem>> -> memref<128xi32, #tpu.memory_space<vmem>>
        %dma_start3A_303 = arith.constant 0 : i32
        %dma_start3A_304 = arith.constant 0 : i32
        %dma_start3A_305 = tpu.memref_slice %arg3[%dma_start3A_303, %dma_start3A_304] : memref<2000000x64xf32, #tpu.memory_space<hbm>> -> memref<2000000x64xf32, #tpu.memory_space<hbm>>
        tpu.enqueue_indirect_dma source(%dma_start3A_305 : memref<2000000x64xf32, #tpu.memory_space<hbm>>) target(%dma_start3A_299 : memref<128x64xf32, #tpu.memory_space<vmem>>) offsets(%dma_start3A_302 : memref<128xi32, #tpu.memory_space<vmem>>) semaphore(%arg10 : memref<!tpu.dma_semaphore, #tpu.memory_space<semaphore_mem>>)
      } else {
      }
      %mul3A_183 = arith.constant 4 : i32
      %mul3A_184 = arith.muli %add3A_93, %mul3A_183 : i32
      %add3A_185 = arith.constant 2 : i32
      %add3A_186 = arith.addi %mul3A_184, %add3A_185 : i32
      %dma_wait3A_187 = arith.constant 0 : i32
      %dma_wait3A_188 = arith.constant 0 : i32
      %dma_wait3A_189 = arith.constant 0 : i32
      %dma_wait3A_190 = tpu.memref_slice %arg8[%dma_wait3A_188, %dma_wait3A_189] : memref<256x64xf32, #tpu.memory_space<vmem>> -> memref<128x64xf32, #tpu.memory_space<vmem>>
      %dma_wait3A_191 = arith.constant 0 : i32
      %dma_wait3A_192 = tpu.memref_slice %arg5[%dma_wait3A_187, %dma_wait3A_191] : memref<200x128xi32, #tpu.memory_space<vmem>> -> memref<1x128xi32, #tpu.memory_space<vmem>>
      %dma_wait3A_193 = tpu.memref_squeeze %dma_wait3A_192 : memref<1x128xi32, #tpu.memory_space<vmem>> -> memref<128xi32, #tpu.memory_space<vmem>>
      %dma_wait3A_194 = arith.constant 0 : i32
      %dma_wait3A_195 = arith.constant 0 : i32
      %dma_wait3A_196 = tpu.memref_slice %arg3[%dma_wait3A_194, %dma_wait3A_195] : memref<2000000x64xf32, #tpu.memory_space<hbm>> -> memref<2000000x64xf32, #tpu.memory_space<hbm>>
      tpu.wait_indirect_dma semaphore(%arg12 : memref<!tpu.dma_semaphore, #tpu.memory_space<semaphore_mem>>) src(%dma_wait3A_196 : memref<2000000x64xf32, #tpu.memory_space<hbm>>) dst(%dma_wait3A_190 : memref<128x64xf32, #tpu.memory_space<vmem>>)
      %dma_wait3A_197 = arith.constant 0 : i32
      %dma_wait3A_198 = arith.constant 0 : i32
      %dma_wait3A_199 = arith.constant 0 : i32
      %dma_wait3A_200 = tpu.memref_slice %arg8[%dma_wait3A_198, %dma_wait3A_199] : memref<256x64xf32, #tpu.memory_space<vmem>> -> memref<128x64xf32, #tpu.memory_space<vmem>>
      %dma_wait3A_201 = arith.constant 0 : i32
      %dma_wait3A_202 = tpu.memref_slice %arg5[%dma_wait3A_197, %dma_wait3A_201] : memref<200x128xi32, #tpu.memory_space<vmem>> -> memref<1x128xi32, #tpu.memory_space<vmem>>
      %dma_wait3A_203 = tpu.memref_squeeze %dma_wait3A_202 : memref<1x128xi32, #tpu.memory_space<vmem>> -> memref<128xi32, #tpu.memory_space<vmem>>
      %dma_wait3A_204 = arith.constant 0 : i32
      %dma_wait3A_205 = arith.constant 0 : i32
      %dma_wait3A_206 = tpu.memref_slice %arg3[%dma_wait3A_204, %dma_wait3A_205] : memref<2000000x64xf32, #tpu.memory_space<hbm>> -> memref<2000000x64xf32, #tpu.memory_space<hbm>>
      tpu.wait_indirect_dma semaphore(%arg12 : memref<!tpu.dma_semaphore, #tpu.memory_space<semaphore_mem>>) src(%dma_wait3A_206 : memref<2000000x64xf32, #tpu.memory_space<hbm>>) dst(%dma_wait3A_200 : memref<128x64xf32, #tpu.memory_space<vmem>>)
      %mul3A_207 = arith.constant 25600 : i32
      %mul3A_208 = arith.muli %add3A, %mul3A_207 : i32
      %mul3A_209 = arith.constant 256 : i32
      %mul3A_210 = arith.muli %add3A_186, %mul3A_209 : i32
      %add3A_211 = arith.addi %mul3A_208, %mul3A_210 : i32
      %multiple_of3A_212 = tpu.assume_multiple %add3A_211, 8 : i32
      %dma_start3A_213 = arith.constant 0 : i32
      %dma_start3A_214 = tpu.memref_slice %arg4[%multiple_of3A_212, %dma_start3A_213] : memref<819200x64xf32, #tpu.memory_space<hbm>> -> memref<256x64xf32, #tpu.memory_space<hbm>>
      %dma_start3A_215 = arith.constant 0 : i32
      %dma_start3A_216 = tpu.memref_slice %arg4[%multiple_of3A_212, %dma_start3A_215] : memref<819200x64xf32, #tpu.memory_space<hbm>> -> memref<256x64xf32, #tpu.memory_space<hbm>>
      tpu.enqueue_dma source(%arg8 : memref<256x64xf32, #tpu.memory_space<vmem>>) target(%dma_start3A_216 : memref<256x64xf32, #tpu.memory_space<hbm>>) target_semaphore(%arg16 : memref<!tpu.dma_semaphore, #tpu.memory_space<semaphore_mem>>)
      %ge3A_217 = arith.constant 1 : i32
      %ge3A_218 = arith.cmpi sge, %add3A_186, %ge3A_217 : i32
      %lt3A_219 = arith.constant 97 : i32
      %lt3A_220 = arith.cmpi slt, %add3A_186, %lt3A_219 : i32
      %and3A_221 = arith.andi %ge3A_218, %lt3A_220 : i1
      %convert_element_type3A_222 = arith.extui %and3A_221 : i1 to i32
      %cond3A_223 = arith.constant 0 : i32
      %cond3A_224 = arith.cmpi ne, %convert_element_type3A_222, %cond3A_223 : i32
      scf.if %cond3A_224 {
        %dma_wait3A_277 = arith.constant 0 : i32
        %dma_wait3A_278 = arith.constant 0 : i32
        %dma_wait3A_279 = tpu.memref_slice %arg4[%dma_wait3A_277, %dma_wait3A_278] : memref<819200x64xf32, #tpu.memory_space<hbm>> -> memref<256x64xf32, #tpu.memory_space<hbm>>
        %dma_wait3A_280 = arith.constant 0 : i32
        %dma_wait3A_281 = arith.constant 0 : i32
        %dma_wait3A_282 = tpu.memref_slice %arg4[%dma_wait3A_280, %dma_wait3A_281] : memref<819200x64xf32, #tpu.memory_space<hbm>> -> memref<256x64xf32, #tpu.memory_space<hbm>>
        tpu.wait_dma2 semaphore(%arg15 : memref<!tpu.dma_semaphore, #tpu.memory_space<semaphore_mem>>) src(%arg7 : memref<256x64xf32, #tpu.memory_space<vmem>>) dst(%dma_wait3A_282 : memref<256x64xf32, #tpu.memory_space<hbm>>)
      } else {
      }
      %lt3A_225 = arith.constant 97 : i32
      %lt3A_226 = arith.cmpi slt, %add3A_186, %lt3A_225 : i32
      %convert_element_type3A_227 = arith.extui %lt3A_226 : i1 to i32
      %cond3A_228 = arith.constant 0 : i32
      %cond3A_229 = arith.cmpi ne, %convert_element_type3A_227, %cond3A_228 : i32
      scf.if %cond3A_229 {
        %add3A_277 = arith.constant 4 : i32
        %add3A_278 = arith.addi %add3A_186, %add3A_277 : i32
        %sub3A = arith.constant 1 : i32
        %sub3A_279 = arith.subi %add3A_278, %sub3A : i32
        %mul3A_280 = arith.constant 2 : i32
        %mul3A_281 = arith.muli %sub3A_279, %mul3A_280 : i32
        %add3A_282 = arith.constant 0 : i32
        %add3A_283 = arith.addi %mul3A_281, %add3A_282 : i32
        %dma_start3A_284 = arith.constant 0 : i32
        %dma_start3A_285 = arith.constant 0 : i32
        %dma_start3A_286 = tpu.memref_slice %arg7[%dma_start3A_284, %dma_start3A_285] : memref<256x64xf32, #tpu.memory_space<vmem>> -> memref<128x64xf32, #tpu.memory_space<vmem>>
        %dma_start3A_287 = arith.constant 0 : i32
        %dma_start3A_288 = tpu.memref_slice %arg5[%add3A_283, %dma_start3A_287] : memref<200x128xi32, #tpu.memory_space<vmem>> -> memref<1x128xi32, #tpu.memory_space<vmem>>
        %dma_start3A_289 = tpu.memref_squeeze %dma_start3A_288 : memref<1x128xi32, #tpu.memory_space<vmem>> -> memref<128xi32, #tpu.memory_space<vmem>>
        %dma_start3A_290 = arith.constant 0 : i32
        %dma_start3A_291 = arith.constant 0 : i32
        %dma_start3A_292 = tpu.memref_slice %arg3[%dma_start3A_290, %dma_start3A_291] : memref<2000000x64xf32, #tpu.memory_space<hbm>> -> memref<2000000x64xf32, #tpu.memory_space<hbm>>
        tpu.enqueue_indirect_dma source(%dma_start3A_292 : memref<2000000x64xf32, #tpu.memory_space<hbm>>) target(%dma_start3A_286 : memref<128x64xf32, #tpu.memory_space<vmem>>) offsets(%dma_start3A_289 : memref<128xi32, #tpu.memory_space<vmem>>) semaphore(%arg11 : memref<!tpu.dma_semaphore, #tpu.memory_space<semaphore_mem>>)
        %mul3A_293 = arith.constant 2 : i32
        %mul3A_294 = arith.muli %sub3A_279, %mul3A_293 : i32
        %add3A_295 = arith.constant 1 : i32
        %add3A_296 = arith.addi %mul3A_294, %add3A_295 : i32
        %dma_start3A_297 = arith.constant 128 : i32
        %dma_start3A_298 = arith.constant 0 : i32
        %dma_start3A_299 = tpu.memref_slice %arg7[%dma_start3A_297, %dma_start3A_298] : memref<256x64xf32, #tpu.memory_space<vmem>> -> memref<128x64xf32, #tpu.memory_space<vmem>>
        %dma_start3A_300 = arith.constant 0 : i32
        %dma_start3A_301 = tpu.memref_slice %arg5[%add3A_296, %dma_start3A_300] : memref<200x128xi32, #tpu.memory_space<vmem>> -> memref<1x128xi32, #tpu.memory_space<vmem>>
        %dma_start3A_302 = tpu.memref_squeeze %dma_start3A_301 : memref<1x128xi32, #tpu.memory_space<vmem>> -> memref<128xi32, #tpu.memory_space<vmem>>
        %dma_start3A_303 = arith.constant 0 : i32
        %dma_start3A_304 = arith.constant 0 : i32
        %dma_start3A_305 = tpu.memref_slice %arg3[%dma_start3A_303, %dma_start3A_304] : memref<2000000x64xf32, #tpu.memory_space<hbm>> -> memref<2000000x64xf32, #tpu.memory_space<hbm>>
        tpu.enqueue_indirect_dma source(%dma_start3A_305 : memref<2000000x64xf32, #tpu.memory_space<hbm>>) target(%dma_start3A_299 : memref<128x64xf32, #tpu.memory_space<vmem>>) offsets(%dma_start3A_302 : memref<128xi32, #tpu.memory_space<vmem>>) semaphore(%arg11 : memref<!tpu.dma_semaphore, #tpu.memory_space<semaphore_mem>>)
      } else {
      }
      %mul3A_230 = arith.constant 4 : i32
      %mul3A_231 = arith.muli %add3A_93, %mul3A_230 : i32
      %add3A_232 = arith.constant 3 : i32
      %add3A_233 = arith.addi %mul3A_231, %add3A_232 : i32
      %dma_wait3A_234 = arith.constant 0 : i32
      %dma_wait3A_235 = arith.constant 0 : i32
      %dma_wait3A_236 = arith.constant 0 : i32
      %dma_wait3A_237 = tpu.memref_slice %arg9[%dma_wait3A_235, %dma_wait3A_236] : memref<256x64xf32, #tpu.memory_space<vmem>> -> memref<128x64xf32, #tpu.memory_space<vmem>>
      %dma_wait3A_238 = arith.constant 0 : i32
      %dma_wait3A_239 = tpu.memref_slice %arg5[%dma_wait3A_234, %dma_wait3A_238] : memref<200x128xi32, #tpu.memory_space<vmem>> -> memref<1x128xi32, #tpu.memory_space<vmem>>
      %dma_wait3A_240 = tpu.memref_squeeze %dma_wait3A_239 : memref<1x128xi32, #tpu.memory_space<vmem>> -> memref<128xi32, #tpu.memory_space<vmem>>
      %dma_wait3A_241 = arith.constant 0 : i32
      %dma_wait3A_242 = arith.constant 0 : i32
      %dma_wait3A_243 = tpu.memref_slice %arg3[%dma_wait3A_241, %dma_wait3A_242] : memref<2000000x64xf32, #tpu.memory_space<hbm>> -> memref<2000000x64xf32, #tpu.memory_space<hbm>>
      tpu.wait_indirect_dma semaphore(%arg13 : memref<!tpu.dma_semaphore, #tpu.memory_space<semaphore_mem>>) src(%dma_wait3A_243 : memref<2000000x64xf32, #tpu.memory_space<hbm>>) dst(%dma_wait3A_237 : memref<128x64xf32, #tpu.memory_space<vmem>>)
      %dma_wait3A_244 = arith.constant 0 : i32
      %dma_wait3A_245 = arith.constant 0 : i32
      %dma_wait3A_246 = arith.constant 0 : i32
      %dma_wait3A_247 = tpu.memref_slice %arg9[%dma_wait3A_245, %dma_wait3A_246] : memref<256x64xf32, #tpu.memory_space<vmem>> -> memref<128x64xf32, #tpu.memory_space<vmem>>
      %dma_wait3A_248 = arith.constant 0 : i32
      %dma_wait3A_249 = tpu.memref_slice %arg5[%dma_wait3A_244, %dma_wait3A_248] : memref<200x128xi32, #tpu.memory_space<vmem>> -> memref<1x128xi32, #tpu.memory_space<vmem>>
      %dma_wait3A_250 = tpu.memref_squeeze %dma_wait3A_249 : memref<1x128xi32, #tpu.memory_space<vmem>> -> memref<128xi32, #tpu.memory_space<vmem>>
      %dma_wait3A_251 = arith.constant 0 : i32
      %dma_wait3A_252 = arith.constant 0 : i32
      %dma_wait3A_253 = tpu.memref_slice %arg3[%dma_wait3A_251, %dma_wait3A_252] : memref<2000000x64xf32, #tpu.memory_space<hbm>> -> memref<2000000x64xf32, #tpu.memory_space<hbm>>
      tpu.wait_indirect_dma semaphore(%arg13 : memref<!tpu.dma_semaphore, #tpu.memory_space<semaphore_mem>>) src(%dma_wait3A_253 : memref<2000000x64xf32, #tpu.memory_space<hbm>>) dst(%dma_wait3A_247 : memref<128x64xf32, #tpu.memory_space<vmem>>)
      %mul3A_254 = arith.constant 25600 : i32
      %mul3A_255 = arith.muli %add3A, %mul3A_254 : i32
      %mul3A_256 = arith.constant 256 : i32
      %mul3A_257 = arith.muli %add3A_233, %mul3A_256 : i32
      %add3A_258 = arith.addi %mul3A_255, %mul3A_257 : i32
      %multiple_of3A_259 = tpu.assume_multiple %add3A_258, 8 : i32
      %dma_start3A_260 = arith.constant 0 : i32
      %dma_start3A_261 = tpu.memref_slice %arg4[%multiple_of3A_259, %dma_start3A_260] : memref<819200x64xf32, #tpu.memory_space<hbm>> -> memref<256x64xf32, #tpu.memory_space<hbm>>
      %dma_start3A_262 = arith.constant 0 : i32
      %dma_start3A_263 = tpu.memref_slice %arg4[%multiple_of3A_259, %dma_start3A_262] : memref<819200x64xf32, #tpu.memory_space<hbm>> -> memref<256x64xf32, #tpu.memory_space<hbm>>
      tpu.enqueue_dma source(%arg9 : memref<256x64xf32, #tpu.memory_space<vmem>>) target(%dma_start3A_263 : memref<256x64xf32, #tpu.memory_space<hbm>>) target_semaphore(%arg17 : memref<!tpu.dma_semaphore, #tpu.memory_space<semaphore_mem>>)
      %ge3A_264 = arith.constant 1 : i32
      %ge3A_265 = arith.cmpi sge, %add3A_233, %ge3A_264 : i32
      %lt3A_266 = arith.constant 97 : i32
      %lt3A_267 = arith.cmpi slt, %add3A_233, %lt3A_266 : i32
      %and3A_268 = arith.andi %ge3A_265, %lt3A_267 : i1
      %convert_element_type3A_269 = arith.extui %and3A_268 : i1 to i32
      %cond3A_270 = arith.constant 0 : i32
      %cond3A_271 = arith.cmpi ne, %convert_element_type3A_269, %cond3A_270 : i32
      scf.if %cond3A_271 {
        %dma_wait3A_277 = arith.constant 0 : i32
        %dma_wait3A_278 = arith.constant 0 : i32
        %dma_wait3A_279 = tpu.memref_slice %arg4[%dma_wait3A_277, %dma_wait3A_278] : memref<819200x64xf32, #tpu.memory_space<hbm>> -> memref<256x64xf32, #tpu.memory_space<hbm>>
        %dma_wait3A_280 = arith.constant 0 : i32
        %dma_wait3A_281 = arith.constant 0 : i32
        %dma_wait3A_282 = tpu.memref_slice %arg4[%dma_wait3A_280, %dma_wait3A_281] : memref<819200x64xf32, #tpu.memory_space<hbm>> -> memref<256x64xf32, #tpu.memory_space<hbm>>
        tpu.wait_dma2 semaphore(%arg16 : memref<!tpu.dma_semaphore, #tpu.memory_space<semaphore_mem>>) src(%arg8 : memref<256x64xf32, #tpu.memory_space<vmem>>) dst(%dma_wait3A_282 : memref<256x64xf32, #tpu.memory_space<hbm>>)
      } else {
      }
      %lt3A_272 = arith.constant 97 : i32
      %lt3A_273 = arith.cmpi slt, %add3A_233, %lt3A_272 : i32
      %convert_element_type3A_274 = arith.extui %lt3A_273 : i1 to i32
      %cond3A_275 = arith.constant 0 : i32
      %cond3A_276 = arith.cmpi ne, %convert_element_type3A_274, %cond3A_275 : i32
      scf.if %cond3A_276 {
        %add3A_277 = arith.constant 4 : i32
        %add3A_278 = arith.addi %add3A_233, %add3A_277 : i32
        %sub3A = arith.constant 1 : i32
        %sub3A_279 = arith.subi %add3A_278, %sub3A : i32
        %mul3A_280 = arith.constant 2 : i32
        %mul3A_281 = arith.muli %sub3A_279, %mul3A_280 : i32
        %add3A_282 = arith.constant 0 : i32
        %add3A_283 = arith.addi %mul3A_281, %add3A_282 : i32
        %dma_start3A_284 = arith.constant 0 : i32
        %dma_start3A_285 = arith.constant 0 : i32
        %dma_start3A_286 = tpu.memref_slice %arg8[%dma_start3A_284, %dma_start3A_285] : memref<256x64xf32, #tpu.memory_space<vmem>> -> memref<128x64xf32, #tpu.memory_space<vmem>>
        %dma_start3A_287 = arith.constant 0 : i32
        %dma_start3A_288 = tpu.memref_slice %arg5[%add3A_283, %dma_start3A_287] : memref<200x128xi32, #tpu.memory_space<vmem>> -> memref<1x128xi32, #tpu.memory_space<vmem>>
        %dma_start3A_289 = tpu.memref_squeeze %dma_start3A_288 : memref<1x128xi32, #tpu.memory_space<vmem>> -> memref<128xi32, #tpu.memory_space<vmem>>
        %dma_start3A_290 = arith.constant 0 : i32
        %dma_start3A_291 = arith.constant 0 : i32
        %dma_start3A_292 = tpu.memref_slice %arg3[%dma_start3A_290, %dma_start3A_291] : memref<2000000x64xf32, #tpu.memory_space<hbm>> -> memref<2000000x64xf32, #tpu.memory_space<hbm>>
        tpu.enqueue_indirect_dma source(%dma_start3A_292 : memref<2000000x64xf32, #tpu.memory_space<hbm>>) target(%dma_start3A_286 : memref<128x64xf32, #tpu.memory_space<vmem>>) offsets(%dma_start3A_289 : memref<128xi32, #tpu.memory_space<vmem>>) semaphore(%arg12 : memref<!tpu.dma_semaphore, #tpu.memory_space<semaphore_mem>>)
        %mul3A_293 = arith.constant 2 : i32
        %mul3A_294 = arith.muli %sub3A_279, %mul3A_293 : i32
        %add3A_295 = arith.constant 1 : i32
        %add3A_296 = arith.addi %mul3A_294, %add3A_295 : i32
        %dma_start3A_297 = arith.constant 128 : i32
        %dma_start3A_298 = arith.constant 0 : i32
        %dma_start3A_299 = tpu.memref_slice %arg8[%dma_start3A_297, %dma_start3A_298] : memref<256x64xf32, #tpu.memory_space<vmem>> -> memref<128x64xf32, #tpu.memory_space<vmem>>
        %dma_start3A_300 = arith.constant 0 : i32
        %dma_start3A_301 = tpu.memref_slice %arg5[%add3A_296, %dma_start3A_300] : memref<200x128xi32, #tpu.memory_space<vmem>> -> memref<1x128xi32, #tpu.memory_space<vmem>>
        %dma_start3A_302 = tpu.memref_squeeze %dma_start3A_301 : memref<1x128xi32, #tpu.memory_space<vmem>> -> memref<128xi32, #tpu.memory_space<vmem>>
        %dma_start3A_303 = arith.constant 0 : i32
        %dma_start3A_304 = arith.constant 0 : i32
        %dma_start3A_305 = tpu.memref_slice %arg3[%dma_start3A_303, %dma_start3A_304] : memref<2000000x64xf32, #tpu.memory_space<hbm>> -> memref<2000000x64xf32, #tpu.memory_space<hbm>>
        tpu.enqueue_indirect_dma source(%dma_start3A_305 : memref<2000000x64xf32, #tpu.memory_space<hbm>>) target(%dma_start3A_299 : memref<128x64xf32, #tpu.memory_space<vmem>>) offsets(%dma_start3A_302 : memref<128xi32, #tpu.memory_space<vmem>>) semaphore(%arg12 : memref<!tpu.dma_semaphore, #tpu.memory_space<semaphore_mem>>)
      } else {
      }
    }
    %scan3A_65 = arith.constant 25 : i32
    %dma_wait3A = arith.constant 0 : i32
    %dma_wait3A_66 = arith.constant 0 : i32
    %dma_wait3A_67 = tpu.memref_slice %arg4[%dma_wait3A, %dma_wait3A_66] : memref<819200x64xf32, #tpu.memory_space<hbm>> -> memref<256x64xf32, #tpu.memory_space<hbm>>
    %dma_wait3A_68 = arith.constant 0 : i32
    %dma_wait3A_69 = arith.constant 0 : i32
    %dma_wait3A_70 = tpu.memref_slice %arg4[%dma_wait3A_68, %dma_wait3A_69] : memref<819200x64xf32, #tpu.memory_space<hbm>> -> memref<256x64xf32, #tpu.memory_space<hbm>>
    tpu.wait_dma2 semaphore(%arg14 : memref<!tpu.dma_semaphore, #tpu.memory_space<semaphore_mem>>) src(%arg6 : memref<256x64xf32, #tpu.memory_space<vmem>>) dst(%dma_wait3A_70 : memref<256x64xf32, #tpu.memory_space<hbm>>)
    %dma_wait3A_71 = arith.constant 0 : i32
    %dma_wait3A_72 = arith.constant 0 : i32
    %dma_wait3A_73 = tpu.memref_slice %arg4[%dma_wait3A_71, %dma_wait3A_72] : memref<819200x64xf32, #tpu.memory_space<hbm>> -> memref<256x64xf32, #tpu.memory_space<hbm>>
    %dma_wait3A_74 = arith.constant 0 : i32
    %dma_wait3A_75 = arith.constant 0 : i32
    %dma_wait3A_76 = tpu.memref_slice %arg4[%dma_wait3A_74, %dma_wait3A_75] : memref<819200x64xf32, #tpu.memory_space<hbm>> -> memref<256x64xf32, #tpu.memory_space<hbm>>
    tpu.wait_dma2 semaphore(%arg15 : memref<!tpu.dma_semaphore, #tpu.memory_space<semaphore_mem>>) src(%arg7 : memref<256x64xf32, #tpu.memory_space<vmem>>) dst(%dma_wait3A_76 : memref<256x64xf32, #tpu.memory_space<hbm>>)
    %dma_wait3A_77 = arith.constant 0 : i32
    %dma_wait3A_78 = arith.constant 0 : i32
    %dma_wait3A_79 = tpu.memref_slice %arg4[%dma_wait3A_77, %dma_wait3A_78] : memref<819200x64xf32, #tpu.memory_space<hbm>> -> memref<256x64xf32, #tpu.memory_space<hbm>>
    %dma_wait3A_80 = arith.constant 0 : i32
    %dma_wait3A_81 = arith.constant 0 : i32
    %dma_wait3A_82 = tpu.memref_slice %arg4[%dma_wait3A_80, %dma_wait3A_81] : memref<819200x64xf32, #tpu.memory_space<hbm>> -> memref<256x64xf32, #tpu.memory_space<hbm>>
    tpu.wait_dma2 semaphore(%arg16 : memref<!tpu.dma_semaphore, #tpu.memory_space<semaphore_mem>>) src(%arg8 : memref<256x64xf32, #tpu.memory_space<vmem>>) dst(%dma_wait3A_82 : memref<256x64xf32, #tpu.memory_space<hbm>>)
    %dma_wait3A_83 = arith.constant 0 : i32
    %dma_wait3A_84 = arith.constant 0 : i32
    %dma_wait3A_85 = tpu.memref_slice %arg4[%dma_wait3A_83, %dma_wait3A_84] : memref<819200x64xf32, #tpu.memory_space<hbm>> -> memref<256x64xf32, #tpu.memory_space<hbm>>
    %dma_wait3A_86 = arith.constant 0 : i32
    %dma_wait3A_87 = arith.constant 0 : i32
    %dma_wait3A_88 = tpu.memref_slice %arg4[%dma_wait3A_86, %dma_wait3A_87] : memref<819200x64xf32, #tpu.memory_space<hbm>> -> memref<256x64xf32, #tpu.memory_space<hbm>>
    tpu.wait_dma2 semaphore(%arg17 : memref<!tpu.dma_semaphore, #tpu.memory_space<semaphore_mem>>) src(%arg9 : memref<256x64xf32, #tpu.memory_space<vmem>>) dst(%dma_wait3A_88 : memref<256x64xf32, #tpu.memory_space<hbm>>)
    return
  }
}

</mosaic_0001>

<sc_bundles>
// kernel: kernel.3.cloned.1.call-start
scs
__scs_entry_jumppad:
0x0: {  	(pc) =	sbr.rel $0x88, $3  }
0x1: {  	(tag) =	ssettag $0x0;
	lr =	simm.s32 $0x1  }
0x2: {  	[smem:$0x3F9F] =	sst lr;
	_ =	strace $0xD0000000  }
0x3: {  	_ = 	snop  }
0x4: {  	_ = 	snop  }
0x5: {  	_ = 	snop  }
0x6: {  	_ = 	snop  }
0x7: {  	_ = 	snop  }
__scs_overlays_trampoline_lowered:
0x8: {  	[smem:$0x3FAE] =	sst s0  }
0x9: {  	[smem:$0x3FAF] =	sst s1  }
0xa: {  	[smem:$0x3FB0] =	sst s2  }
0xb: {  	[smem:$0x3FB1] =	sst s3  }
0xc: {  	[smem:$0x3FB2] =	sst s4  }
0xd: {  	[smem:$0x3FB3] =	sst s5  }
0xe: {  	[smem:$0x3FB4] =	sst s6  }
0xf: {  	[smem:$0x3FB5] =	sst s7  }
0x10: {  	[smem:$0x3FB6] =	sst s8  }
0x11: {  	[smem:$0x3FB7] =	sst s9;
	s0 =	simm.s32 @!p0 $0x0  }
0x12: {  	s1 =	sld [smem:$0x3F9D];
	s0 =	simm.s32 @p0 $0x1  }
0x13: {  	[smem:$0x3FB8] =	sst s0;
	s0 =	simm.s32 @!p1 $0x0  }
0x14: {  	s2 =	sld [smem:$0x3F9C];
	s0 =	simm.s32 @p1 $0x1  }
0x15: {  	[smem:$0x3FB9] =	sst s0;
	s0 =	simm.s32 @!p2 $0x0  }
0x16: {  	s3 =	sld [smem:$0x3FDB];
	s0 =	simm.s32 @p2 $0x1  }
0x17: {  	s4 =	simm.s32 $0x1BF5;
	[smem:$0x3FBB] =	sst s0  }
0x18: {  	s0 =	sld [smem:$0x3F9E];
	_ =	swait.ge [sflag:s4], $0x0  }
0x19: {  	s7 =	sld [smem:$0x3F9F]  }
0x1a: {  	s8 =	sadd.s32 $0xFFFFE003, lr  }
0x1b: {  	s9 =	sadd.s32 $0xFFFFFEF7, lr;
	s5 =	simm.s32 $0xFFFFFFFF;
	p2 =	slt.u32 s8, $0xFFFFF086  }
0x1c: {  	p1 =	slt.u32 s9, $0xF7A;
	s5 =	simm.s32 @!p2 $0x0  }
0x1d: {  	s5 =	simm.s32 @p1 $0x1;
	p0 =	seq.s32 s7, s2  }
0x1e: {  	s7 =	smul.u32 @!p0 $0xF7A, s2;
	p2 =	seq.s32 @!p0 s5, $0x0  }
0x1f: {  	s9 =	smul.u32 $0xF7A, s1;
	s8 =	simm.s32 @!p0 $0x1BF5;
	p2 =	por !p2, p0  }
0x20: {  	[sflag:s8] =	ssyncset.s32 @!p0 $0xFFFFF086;
	s6 =	sadd.s32 @!p0 s3, s7;
	s7 =	simm.s32 @!p0 $0x108  }
0x21: {  	s3 =	sadd.s32 s3, s9;
	s6 =	sadd.s32 @!p0 $0x88, s6;
	s7 =	simm.s32 @p2 $0x1082  }
0x22: {  	[simem:s7], [sflag:s8] =	dma.local @!p0 [hbm:s6], $0xF7A  }
0x23: {  	s9 =	sor.u32 $0xD0000000, s2;
	s6 =	simm.s32 $0x108;
	_ =	swait.ge @!p0 [sflag:s8], $0x0  }
0x24: {  	s3 =	sadd.s32 $0x88, s3;
	s6 =	simm.s32 @!p1 $0x1082;
	[sflag:s4] =	ssyncset.s32 $0xFFFFF086  }
0x25: {  	[simem:s6], [sflag:s4] =	dma.local [hbm:s3], $0xF7A  }
0x26: {  	[smem:$0x3F9F] =	sst s1;
	(tag) =	ssettag s2;
	_ =	strace s9  }
0x27: {  	s1 =	sld [smem:$0x3FAF]  }
0x28: {  	s2 =	sld [smem:$0x3FB0]  }
0x29: {  	s4 =	sld [smem:$0x3FB2]  }
0x2a: {  	p0 =	seq.s32 s5, $0x0;
	s5 =	sld [smem:$0x3FB3]  }
0x2b: {  	s6 =	sld [smem:$0x3FB4]  }
0x2c: {  	s7 =	sld [smem:$0x3FB5]  }
0x2d: {  	s3 =	simm.s32 $0x108;
	s8 =	sld [smem:$0x3FB6]  }
0x2e: {  	s3 =	simm.s32 @!p0 $0x1082;
	s9 =	sld [smem:$0x3FB7]  }
0x2f: {  	lr =	sadd.s32 s0, s3;
	s0 =	sld [smem:$0x3FAE]  }
0x30: {  	s3 =	sld [smem:$0x3FB1]  }
0x31: {  	[smem:$0x3FBA] =	sst s10  }
0x32: {  	s10 =	sld [smem:$0x3FB8];
	_ =	sdelay $0x3  }
0x33: {  	p0 =	seq.s32 s10, $0x1;
	s10 =	sld [smem:$0x3FBA];
	_ =	sdelay $0x3  }
0x34: {  	[smem:$0x3FBA] =	sst s10  }
0x35: {  	s10 =	sld [smem:$0x3FB9];
	_ =	sdelay $0x3  }
0x36: {  	p1 =	seq.s32 s10, $0x1;
	s10 =	sld [smem:$0x3FBA];
	_ =	sdelay $0x3  }
0x37: {  	[smem:$0x3FBA] =	sst s10  }
0x38: {  	s10 =	sld [smem:$0x3FBB]  }
0x39: {  	_ = 	snop;
	(pc) =	sbr.ind lr, $3  }
0x3a: {  	_ = 	snop  }
0x3b: {  	_ = 	snop  }
0x3c: {  	p2 =	seq.s32 s10, $0x1;
	s10 =	sld [smem:$0x3FBA]  }
0x3d: {  	_ =	shalt  }
0x3e: {  	_ =	shalt  }
0x3f: {  	_ =	shalt  }
0x40: {  	_ =	shalt  }
0x41: {  	_ =	shalt  }
0x42: {  	_ =	shalt  }
0x43: {  	_ =	shalt  }
0x44: {  	_ =	shalt  }
0x45: {  	_ =	shalt  }
0x46: {  	_ =	shalt  }
0x47: {  	_ =	shalt  }
0x48: {  	_ =	shalt  }
0x49: {  	_ =	shalt  }
0x4a: {  	_ =	shalt  }
0x4b: {  	_ =	shalt  }
0x4c: {  	_ =	shalt  }
0x4d: {  	_ =	shalt  }
0x4e: {  	_ =	shalt  }
0x4f: {  	_ =	shalt  }
0x50: {  	_ =	shalt  }
0x51: {  	_ =	shalt  }
0x52: {  	_ =	shalt  }
0x53: {  	_ =	shalt  }
0x54: {  	_ =	shalt  }
0x55: {  	_ =	shalt  }
0x56: {  	_ =	shalt  }
0x57: {  	_ =	shalt  }
0x58: {  	_ =	shalt  }
0x59: {  	_ =	shalt  }
0x5a: {  	_ =	shalt  }
0x5b: {  	_ =	shalt  }
0x5c: {  	_ =	shalt  }
0x5d: {  	_ =	shalt  }
0x5e: {  	_ =	shalt  }
0x5f: {  	_ =	shalt  }
0x60: {  	_ =	shalt  }
0x61: {  	_ =	shalt  }
0x62: {  	_ =	shalt  }
0x63: {  	_ =	shalt  }
0x64: {  	_ =	shalt  }
0x65: {  	_ =	shalt  }
0x66: {  	_ =	shalt  }
0x67: {  	_ =	shalt  }
0x68: {  	_ =	shalt  }
0x69: {  	_ =	shalt  }
0x6a: {  	_ =	shalt  }
0x6b: {  	_ =	shalt  }
0x6c: {  	_ =	shalt  }
0x6d: {  	_ =	shalt  }
0x6e: {  	_ =	shalt  }
0x6f: {  	_ =	shalt  }
0x70: {  	_ =	shalt  }
0x71: {  	_ =	shalt  }
0x72: {  	_ =	shalt  }
0x73: {  	_ =	shalt  }
0x74: {  	_ =	shalt  }
0x75: {  	_ =	shalt  }
0x76: {  	_ =	shalt  }
0x77: {  	_ =	shalt  }
0x78: {  	_ =	shalt  }
0x79: {  	_ =	shalt  }
0x7a: {  	_ =	shalt  }
0x7b: {  	_ =	shalt  }
0x7c: {  	_ =	shalt  }
0x7d: {  	_ =	shalt  }
0x7e: {  	_ =	shalt  }
0x7f: {  	_ =	shalt  }
0x80: {  	_ =	shalt  }
0x81: {  	_ =	shalt  }
0x82: {  	_ =	shalt  }
0x83: {  	_ =	shalt  }
0x84: {  	_ =	shalt  }
0x85: {  	_ =	shalt  }
0x86: {  	_ =	shalt  }
0x87: {  	_ =	shalt  }
.Lfunc_end0:
.L_simem_size_0:
called_computation.2_lowered:
.L_overlay_start_0:
0x88: {  	s2 =	sld [smem:$0x3FD9]  }
0x89: {  	s3 =	sld [smem:$0x3FFE];
	_ =	sdelay $0x1  }
0x8a: {  	s1 =	srdreg.scid  }
0x8b: {  	s0 =	sand.u32 $0x1, s1  }
0x8c: {  	s17 =	sshll.u32 s0, $0xA;
	s2 =	sadd.s32 s3, s2  }
0x8d: {  	s2 =	sadd.s32 s2, s17  }
0x8e: {  	[smem:$0x3FC6] =	sst s2  }
0x8f: {  	_ = 	snop  }
0x90: {  	s2 =	sld [smem:$0x3FD0];
	(tm) =	ssettm $0x1  }
0x91: {  	s18 =	sld [smem:$0x3FFB];
	_ =	sdelay $0x3  }
0x92: {  	_ =	strace s18  }
0x93: {  	s3 =	sld [smem:$0x3FFC];
	_ =	sdelay $0x3  }
0x94: {  	_ =	strace s3  }
0x95: {  	s3 =	sld [smem:$0x3FFD];
	_ =	sdelay $0x3  }
0x96: {  	_ =	strace s3  }
0x97: {  	_ =	strace $0x8FFFFFFF  }
0x98: {  	s19 =	sld [smem:$0x3FDB];
	_ =	sdelay $0x1  }
0x99: {  	s4 =	simm.s32 $_scs_section_size  }
0x9a: {  	s5 =	simm.s32 $_size__tile_overlayer_lowered;
	s6 =	simm.s32 $_tile_overlayer_lowered  }
0x9b: {  	s22 =	simm.s32 $0x1BFF;
	s21 =	sshll.u32 s6, $0x1;
	s3 =	sadd.s32 s4, s19  }
0x9c: {  	s7 =	simm.s32 $0x0;
	s20 =	sshll.u32 s5, $0x1;
	s5 =	sadd.s32 s21, s3  }
0x9d: {  	[timem:s7], [sflag:s22] =	dma.local [hbm:s5], s20  }
0x9e: {  	_ =	swait.ge [sflag:s22], s20  }
0x9f: {  	s4 =	ssub.s32 $0x0, s20;
	[sflag:s22] =	ssyncset.done $0x0  }
0xa0: {  	[sflag:s22] =	ssyncadd.s32 s4;
	_ =	sdelay $0x1  }
0xa1: {  	s23 =	simm.s32 $0x1B8B  }
0xa2: {  	_ =	swait.ge [sflag:s23], $0x1  }
0xa3: {  	[sflag:s23] =	ssyncset.done $0x0  }
0xa4: {  	s25 =	simm.s32 $0x1B8E;
	s24 =	sld [smem:$0x3FFE];
	[sflag:s23] =	ssyncadd.s32 $0xFFFFFFFF  }
0xa5: {  	s26 =	simm.s32 $execute0_lowered;
	[smem:$0x3FD2] =	sst s25  }
0xa6: {  	s5 =	sshll.u32 s26, $0x1;
	_ =	strace $0x80000049;
	[dreg:$0x1] =	wrdreg $0xFFFFFFFF  }
0xa7: {  	s28 =	simm.s32 $_size_execute0_lowered;
	s3 =	sadd.s32 s3, s5;
	[dreg:$0x0] =	wrdreg $0x0  }
0xa8: {  	s5 =	sshll.u32 s28, $0x1;
	[dreg:$0x2] =	wrdreg s3  }
0xa9: {  	[dreg:$0x3] =	wrdreg s5  }
0xaa: {  	[dreg:$0x4] =	wrdreg $0xC0  }
0xab: {  	_ =	task [dreg:s7], $0x5FFFF  }
0xac: {  	[dreg:$0x1] =	wrdreg $0xFFFFFFFF  }
0xad: {  	[dreg:$0x0] =	wrdreg $0x60  }
0xae: {  	[dreg:$0x2] =	wrdreg s24  }
0xaf: {  	[dreg:$0x3] =	wrdreg s2  }
0xb0: {  	[dreg:$0x4] =	wrdreg $0x9  }
0xb1: {  	_ =	task.clear_ibuf [dreg:s7], $0x5FFFF;
	_ =	strace $0x90000049  }
0xb2: {  	s29 =	simm.s32 $0x9;
	_ =	strace $0x8000004B  }
0xb3: {  	_ =	swait.ge [sflag:s29], $0x1  }
0xb4: {  	[sflag:s29] =	ssyncadd.s32 $0xFFFFFFFF  }
0xb5: {  	_ =	strace $0x9000004B  }
0xb6: {  	_ =	sfence  }
0xb7: {  	s30 =	sld [smem:$0x0];
	_ =	sdelay $0x2  }
0xb8: {  	s31 =	sshll.u32 s1, $0xD;
	s1 =	sshrl.u32 s1, $0x2  }
0xb9: {  	s3 =	sand.u32 $0x4000, s31;
	s1 =	sadd.s32 s1, s30  }
0xba: {  	s0 =	sor.u32 s3, s0;
	s1 =	sshll.u32 s1, $0x11  }
0xbb: {  	s0 =	sor.u32 s1, s0  }
0xbc: {  	s0 =	sadd.s32 $0x8F2B, s0  }
0xbd: {  	[sflag:s0] =	ssyncadd.remote.s32 $0x1  }
0xbe: {  	_ =	sfence.sel $0xFFFF  }
0xbf: {  	[dreg:$0x0] =	wrdreg $0xFFFFFFFF;
	(pc) =	sbr.abs _section_cstart, $3  }
0xc0: {  	[dreg:$0x1] =	wrdreg $0xFFFFFFFF  }
0xc1: {  	_ =	task.clear_ibuf [dreg:s7], $0x2FFFF;
	_ =	strace $0x9FFFFFFF  }
0xc2: {  	(tm) =	ssettm $0x7FFFFFFF  }
0xc3: {  	_ =	shalt  }
tec
execute0_lowered:
.L_overlay_start_1:
0x0: {  	(tag) =	ssettag $0x1  }
0x1: {  	s0 =	srdreg.scid;
	s3 =	rddreg [dreg:$0x0]  }
0x2: {  	s5 =	stileid.u32;
	s4 =	rddreg [dreg:$0x1]  }
0x3: {  	s2 =	simm.s32 $0x0;
	s11 =	simm.s32 $0x80;
	s12 =	simm.s32 $0x6400  }
0x4: {  	s15 =	simm.s32 $0xA400;
	s19 =	simm.s32 $0xE400;
	s22 =	simm.s32 $0x1  }
0x5: {  	s23 =	simm.s32 $0x12400;
	s28 =	simm.s32 $0x14400;
	s24 =	simm.s32 $0x2  }
0x6: {  	s29 =	simm.s32 $0x6;
	s30 =	simm.s32 $0x7;
	s31 =	simm.s32 $0x8  }
0x7: {  	s0 =	sand.u32 $0x1, s0;
	s1 =	sshll.u32 s5, $0x1;
	s5 =	smul.u32 $0x320000, s5  }
0x8: {  	[smem:$0x7FF] =	sst s2;
	s1 =	sor.u32 s0, s1;
	s6 =	smul.u32 $0x190000, s0  }
0x9: {  	_ =	strace $0x8000004A;
	s0 =	ssub.s32 $0x2, s0;
	s1 =	smul.u32 $0xC80, s1  }
0xa: {  	[dreg:$0x3] =	wrdreg s28;
	s7 =	sshrl.u32 s0, $0x1;
	s5 =	sadd.s32 s6, s5  }
0xb: {  	s0 =	ssub.s32 s0, s7;
	s1 =	sadd.s32 s1, s3;
	s3 =	sadd.s32 $0xF43600, s3  }
0xc: {  	s6 =	sshrl.u32 s5, $0x3;
	s0 =	smax.u32 s0, $0x1;
	s25 =	sor.u32 $0xC000, s5  }
0xd: {  	s26 =	sor.u32 $0x8000, s5;
	s5 =	sor.u32 $0x4000, s5;
	s1 =	sadd.s32 $0x1E85A00, s1  }
0xe: {  	[dreg:$0x5] =	wrdreg s0;
	s17 =	sadd.s32 s6, s4;
	s0 =	sshrl.u32 s25, $0x3  }
0xf: {  	s5 =	sshrl.u32 s5, $0x3;
	s25 =	simm.s32 $0x3;
	[dreg:$0x4] =	wrdreg s1  }
0x10: {  	s1 =	sshrl.u32 s26, $0x3;
	s18 =	sadd.s32 s0, s4;
	s9 =	sadd.s32 s5, s4  }
0x11: {  	s26 =	simm.s32 $0x4;
	s8 =	sadd.s32 s1, s4;
	s1 =	simm.s32 $0x0  }
.LBB2_1:
0x12: {  	s0 =	rddreg [dreg:$0x4];
	s6 =	simm.s32 $0x9  }
0x13: {  	[tilespmem:s2], [sflag:$0x9] =	stream.linear.gather [hbm4b:s0+s2], $0x6400, $0x38;
	[tilespmem:$0x16400] =	vst v63  }
0x14: {  	_ =	swait.ge [sflag:s6], $0x6400  }
0x15: {  	[sflag:s6] =	ssyncset.done $0x0  }
0x16: {  	[sflag:s6] =	ssyncadd.s32 $0xFFFF9C00  }
0x17: {  	[tilespmem:s12], [sflag:$0x1] =	stream.indirect.gather [hbm4b:s3+s11], $0x40, s2, s11, $0xb8;
	[tilespmem:$0x16400] =	vst v63  }
0x18: {  	s7 =	simm.s32 $0x8400  }
0x19: {  	[tilespmem:s7], [sflag:$0x1] =	stream.indirect.gather [hbm4b:s3+s11], $0x40, s11, s11, $0xb8;
	[tilespmem:$0x16400] =	vst v63  }
0x1a: {  	s10 =	simm.s32 $0x100  }
0x1b: {  	[tilespmem:s15], [sflag:$0x2] =	stream.indirect.gather [hbm4b:s3+s11], $0x40, s10, s11, $0xb8;
	[tilespmem:$0x16400] =	vst v63  }
0x1c: {  	s13 =	simm.s32 $0x180;
	s4 =	simm.s32 $0xC400  }
0x1d: {  	[tilespmem:s4], [sflag:$0x2] =	stream.indirect.gather [hbm4b:s3+s11], $0x40, s13, s11, $0xb8;
	[tilespmem:$0x16400] =	vst v63  }
0x1e: {  	s14 =	simm.s32 $0x200  }
0x1f: {  	[tilespmem:s19], [sflag:$0x3] =	stream.indirect.gather [hbm4b:s3+s11], $0x40, s14, s11, $0xb8;
	[tilespmem:$0x16400] =	vst v63  }
0x20: {  	s16 =	simm.s32 $0x280;
	s20 =	simm.s32 $0x10400  }
0x21: {  	[tilespmem:s20], [sflag:$0x3] =	stream.indirect.gather [hbm4b:s3+s11], $0x40, s16, s11, $0xb8;
	[tilespmem:$0x16400] =	vst v63  }
0x22: {  	_ =	swait.ge [sflag:s22], $0x2000  }
0x23: {  	[sflag:s22] =	ssyncset.done $0x0  }
0x24: {  	[sflag:s22] =	ssyncadd.s32 $0xFFFFE000  }
0x25: {  	_ =	swait.ge [sflag:s22], $0x2000  }
0x26: {  	p0 =	por $0x1, $0x1;
	[sflag:s22] =	ssyncset.done $0x0  }
0x27: {  	s0 =	simm.s32 @!p0 $0x8;
	[sflag:s22] =	ssyncadd.s32 $0xFFFFE000  }
0x28: {  	[hbm4b:s17+s2] =	stream.linear.scatter [tilespmem:s12], [sflag:$0x5], $0x4000, $0x38;
	[tilespmem:$0x16400] =	vst v63  }
0x29: {  	_ =	swait.ge @!p0 [sflag:s0], $0x4000  }
0x2a: {  	[sflag:s0] =	ssyncset.done @!p0 $0x0  }
0x2b: {  	s21 =	simm.s32 $0x300;
	[sflag:s0] =	ssyncadd.s32 @!p0 $0xFFFFC000  }
0x2c: {  	[tilespmem:s23], [sflag:$0x4] =	stream.indirect.gather [hbm4b:s3+s11], $0x40, s21, s11, $0xb8;
	[tilespmem:$0x16400] =	vst v63  }
0x2d: {  	s28 =	simm.s32 $0x380;
	s5 =	rddreg [dreg:$0x3]  }
0x2e: {  	[tilespmem:s5], [sflag:$0x4] =	stream.indirect.gather [hbm4b:s3+s11], $0x40, s28, s11, $0xb8;
	[tilespmem:$0x16400] =	vst v63  }
0x2f: {  	_ =	swait.ge [sflag:s24], $0x2000  }
0x30: {  	[sflag:s24] =	ssyncset.done $0x0  }
0x31: {  	[sflag:s24] =	ssyncadd.s32 $0xFFFFE000  }
0x32: {  	_ =	swait.ge [sflag:s24], $0x2000  }
0x33: {  	p0 =	por $0x0, $0x0;
	[sflag:s24] =	ssyncset.done $0x0  }
0x34: {  	s0 =	simm.s32 @!p0 $0x5;
	[sflag:s24] =	ssyncadd.s32 $0xFFFFE000  }
0x35: {  	[hbm4b:s9+s2] =	stream.linear.scatter [tilespmem:s15], [sflag:$0x6], $0x4000, $0x38;
	[tilespmem:$0x16400] =	vst v63  }
0x36: {  	_ =	swait.ge @!p0 [sflag:s0], $0x4000  }
0x37: {  	s4 =	simm.s32 @!p0 $0x400;
	[sflag:s0] =	ssyncset.done @!p0 $0x0  }
0x38: {  	s6 =	simm.s32 @!p0 $0x6400;
	s5 =	simm.s32 @!p0 $0x80;
	[sflag:s0] =	ssyncadd.s32 @!p0 $0xFFFFC000  }
0x39: {  	[tilespmem:s6], [sflag:$0x1] =	stream.indirect.gather @!p0 [hbm4b:s3+s5], $0x40, s4, s5, $0xb8;
	[tilespmem:$0x16400] =	vst v63  }
0x3a: {  	s0 =	simm.s32 @!p0 $0x480;
	s4 =	simm.s32 @!p0 $0x8400  }
0x3b: {  	[tilespmem:s4], [sflag:$0x1] =	stream.indirect.gather @!p0 [hbm4b:s3+s5], $0x40, s0, s5, $0xb8;
	[tilespmem:$0x16400] =	vst v63  }
0x3c: {  	_ =	swait.ge [sflag:s25], $0x2000  }
0x3d: {  	[sflag:s25] =	ssyncset.done $0x0  }
0x3e: {  	[sflag:s25] =	ssyncadd.s32 $0xFFFFE000  }
0x3f: {  	_ =	swait.ge [sflag:s25], $0x2000  }
0x40: {  	p0 =	por $0x0, $0x0;
	[sflag:s25] =	ssyncset.done $0x0  }
0x41: {  	s0 =	simm.s32 @!p0 $0x6;
	[sflag:s25] =	ssyncadd.s32 $0xFFFFE000  }
0x42: {  	[hbm4b:s8+s2] =	stream.linear.scatter [tilespmem:s19], [sflag:$0x7], $0x4000, $0x38;
	[tilespmem:$0x16400] =	vst v63  }
0x43: {  	_ =	swait.ge @!p0 [sflag:s0], $0x4000  }
0x44: {  	s4 =	simm.s32 @!p0 $0x500;
	[sflag:s0] =	ssyncset.done @!p0 $0x0  }
0x45: {  	s5 =	simm.s32 @!p0 $0x80;
	s6 =	simm.s32 @!p0 $0xA400;
	[sflag:s0] =	ssyncadd.s32 @!p0 $0xFFFFC000  }
0x46: {  	[tilespmem:s6], [sflag:$0x2] =	stream.indirect.gather @!p0 [hbm4b:s3+s5], $0x40, s4, s5, $0xb8;
	[tilespmem:$0x16400] =	vst v63  }
0x47: {  	s0 =	simm.s32 @!p0 $0x580;
	s4 =	simm.s32 @!p0 $0xC400  }
0x48: {  	[tilespmem:s4], [sflag:$0x2] =	stream.indirect.gather @!p0 [hbm4b:s3+s5], $0x40, s0, s5, $0xb8;
	[tilespmem:$0x16400] =	vst v63  }
0x49: {  	_ =	swait.ge [sflag:s26], $0x2000  }
0x4a: {  	[sflag:s26] =	ssyncset.done $0x0  }
0x4b: {  	[sflag:s26] =	ssyncadd.s32 $0xFFFFE000  }
0x4c: {  	_ =	swait.ge [sflag:s26], $0x2000  }
0x4d: {  	p1 =	por $0x0, $0x0;
	s7 =	smov.u32 s18;
	[sflag:s26] =	ssyncset.done $0x0  }
0x4e: {  	s13 =	sadd.s32 $0x2000, s9;
	s0 =	simm.s32 @!p1 $0x7;
	[sflag:s26] =	ssyncadd.s32 $0xFFFFE000  }
0x4f: {  	[hbm4b:s18+s2] =	stream.linear.scatter [tilespmem:s23], [sflag:$0x8], $0x4000, $0x38;
	[tilespmem:$0x16400] =	vst v63  }
0x50: {  	s14 =	sadd.s32 $0x2000, s8;
	s16 =	simm.s32 $0x7;
	_ =	swait.ge @!p1 [sflag:s0], $0x4000  }
0x51: {  	s21 =	simm.s32 @!p1 $0x80;
	s6 =	smov.u32 s17;
	[sflag:s0] =	ssyncset.done @!p1 $0x0  }
0x52: {  	s4 =	simm.s32 @!p1 $0x600;
	s5 =	simm.s32 @!p1 $0xE400;
	[sflag:s0] =	ssyncadd.s32 @!p1 $0xFFFFC000  }
0x53: {  	[tilespmem:s5], [sflag:$0x3] =	stream.indirect.gather @!p1 [hbm4b:s3+s21], $0x40, s4, s21, $0xb8;
	[tilespmem:$0x16400] =	vst v63  }
0x54: {  	s0 =	simm.s32 $0x1000;
	s4 =	simm.s32 @!p1 $0x680;
	s5 =	simm.s32 @!p1 $0x10400  }
.LBB2_2:
0x55: {  	[tilespmem:s5], [sflag:$0x3] =	stream.indirect.gather @!p1 [hbm4b:s3+s21], $0x40, s4, s21, $0xb8;
	[tilespmem:$0x16400] =	vst v63  }
0x56: {  	_ =	swait.ge [sflag:s22], $0x2000  }
0x57: {  	[sflag:s22] =	ssyncset.done $0x0  }
0x58: {  	[sflag:s22] =	ssyncadd.s32 $0xFFFFE000  }
0x59: {  	s10 =	sadd.s32 $0xFFFFFFF9, s16;
	_ =	swait.ge [sflag:s22], $0x2000  }
0x5a: {  	p1 =	sgt.u32 s10, $0x5F;
	[sflag:s22] =	ssyncset.done $0x0  }
0x5b: {  	s6 =	sadd.s32 $0x2000, s6;
	s4 =	simm.s32 @!p1 $0x8;
	[sflag:s22] =	ssyncadd.s32 $0xFFFFE000  }
0x5c: {  	[hbm4b:s6+s2] =	stream.linear.scatter [tilespmem:s12], [sflag:$0x5], $0x4000, $0x38;
	[tilespmem:$0x16400] =	vst v63  }
0x5d: {  	s20 =	smov.u32 s0;
	_ =	swait.ge @!p1 [sflag:s4], $0x4000  }
0x5e: {  	s21 =	sshra.s32 s20, $0x2;
	[sflag:s4] =	ssyncset.done @!p1 $0x0  }
0x5f: {  	s28 =	sadd.s32 $0x300, s21;
	[sflag:s4] =	ssyncadd.s32 @!p1 $0xFFFFC000  }
0x60: {  	[tilespmem:s23], [sflag:$0x4] =	stream.indirect.gather [hbm4b:s3+s11], $0x40, s28, s11, $0xb8;
	[tilespmem:$0x16400] =	vst v63  }
0x61: {  	s5 =	sadd.s32 $0x380, s21;
	s10 =	rddreg [dreg:$0x3]  }
0x62: {  	[tilespmem:s10], [sflag:$0x4] =	stream.indirect.gather [hbm4b:s3+s11], $0x40, s5, s11, $0xb8;
	[tilespmem:$0x16400] =	vst v63  }
0x63: {  	_ =	swait.ge [sflag:s24], $0x2000  }
0x64: {  	[sflag:s24] =	ssyncset.done $0x0  }
0x65: {  	[sflag:s24] =	ssyncadd.s32 $0xFFFFE000  }
0x66: {  	s21 =	sadd.s32 $0xFFFFFFFE, s16;
	_ =	swait.ge [sflag:s24], $0x2000  }
0x67: {  	p1 =	sgt.u32 s21, $0x60;
	[sflag:s24] =	ssyncset.done $0x0  }
0x68: {  	s4 =	simm.s32 @!p1 $0x5;
	[sflag:s24] =	ssyncadd.s32 $0xFFFFE000  }
0x69: {  	[hbm4b:s13+s2] =	stream.linear.scatter [tilespmem:s15], [sflag:$0x6], $0x4000, $0x38;
	[tilespmem:$0x16400] =	vst v63  }
0x6a: {  	_ =	swait.ge @!p1 [sflag:s4], $0x4000  }
0x6b: {  	s21 =	simm.s32 @!p1 $0x80;
	s5 =	sshra.s32 @!p1 s20, $0x2;
	[sflag:s4] =	ssyncset.done @!p1 $0x0  }
0x6c: {  	s28 =	simm.s32 @!p1 $0x6400;
	s10 =	sadd.s32 @!p1 $0x400, s5;
	[sflag:s4] =	ssyncadd.s32 @!p1 $0xFFFFC000  }
0x6d: {  	[tilespmem:s28], [sflag:$0x1] =	stream.indirect.gather @!p1 [hbm4b:s3+s21], $0x40, s10, s21, $0xb8;
	[tilespmem:$0x16400] =	vst v63  }
0x6e: {  	s5 =	sadd.s32 @!p1 $0x480, s5;
	s4 =	simm.s32 @!p1 $0x8400  }
0x6f: {  	[tilespmem:s4], [sflag:$0x1] =	stream.indirect.gather @!p1 [hbm4b:s3+s21], $0x40, s5, s21, $0xb8;
	[tilespmem:$0x16400] =	vst v63  }
0x70: {  	_ =	swait.ge [sflag:s25], $0x2000  }
0x71: {  	[sflag:s25] =	ssyncset.done $0x0  }
0x72: {  	[sflag:s25] =	ssyncadd.s32 $0xFFFFE000  }
0x73: {  	s28 =	sadd.s32 $0xFFFFFFFF, s16;
	_ =	swait.ge [sflag:s25], $0x2000  }
0x74: {  	p1 =	sgt.u32 s28, $0x60;
	[sflag:s25] =	ssyncset.done $0x0  }
0x75: {  	s4 =	simm.s32 @!p1 $0x6;
	[sflag:s25] =	ssyncadd.s32 $0xFFFFE000  }
0x76: {  	[hbm4b:s14+s2] =	stream.linear.scatter [tilespmem:s19], [sflag:$0x7], $0x4000, $0x38;
	[tilespmem:$0x16400] =	vst v63  }
0x77: {  	_ =	swait.ge @!p1 [sflag:s4], $0x4000  }
0x78: {  	s5 =	sshra.s32 @!p1 s20, $0x2;
	s21 =	simm.s32 @!p1 $0x80;
	[sflag:s4] =	ssyncset.done @!p1 $0x0  }
0x79: {  	s28 =	simm.s32 @!p1 $0xA400;
	s10 =	sadd.s32 @!p1 $0x500, s5;
	[sflag:s4] =	ssyncadd.s32 @!p1 $0xFFFFC000  }
0x7a: {  	[tilespmem:s28], [sflag:$0x2] =	stream.indirect.gather @!p1 [hbm4b:s3+s21], $0x40, s10, s21, $0xb8;
	[tilespmem:$0x16400] =	vst v63  }
0x7b: {  	s5 =	sadd.s32 @!p1 $0x580, s5;
	s4 =	simm.s32 @!p1 $0xC400  }
0x7c: {  	[tilespmem:s4], [sflag:$0x2] =	stream.indirect.gather @!p1 [hbm4b:s3+s21], $0x40, s5, s21, $0xb8;
	[tilespmem:$0x16400] =	vst v63  }
0x7d: {  	_ =	swait.ge [sflag:s26], $0x2000  }
0x7e: {  	[sflag:s26] =	ssyncset.done $0x0  }
0x7f: {  	[sflag:s26] =	ssyncadd.s32 $0xFFFFE000  }
0x80: {  	s7 =	sadd.s32 $0x2000, s7;
	s0 =	sadd.s32 $0x1000, s0;
	_ =	swait.ge [sflag:s26], $0x2000  }
0x81: {  	p0 =	sne.s32 s0, $0x19000;
	s13 =	sadd.s32 $0x2000, s13;
	[sflag:s26] =	ssyncset.done $0x0  }
0x82: {  	s14 =	sadd.s32 $0x2000, s14;
	p1 =	sgt.u32 s16, $0x60;
	[sflag:s26] =	ssyncadd.s32 $0xFFFFE000  }
0x83: {  	[hbm4b:s7+s2] =	stream.linear.scatter [tilespmem:s23], [sflag:$0x8], $0x4000, $0x38;
	[tilespmem:$0x16400] =	vst v63  }
.Ltmp0:
0x84: {  	s16 =	sadd.s32 $0x4, s16;
	s5 =	simm.s32 @!p1 $0x7;
	(pc) =	sbr.rel @p0 .LBB2_2-.Ltmp0, $4  }
0x85: {  	s4 =	sshra.s32 @!p1 s20, $0x2;
	s21 =	simm.s32 @!p1 $0x80;
	_ =	swait.ge @!p1 [sflag:s5], $0x4000  }
0x86: {  	s20 =	simm.s32 @!p1 $0xE400;
	s10 =	sadd.s32 @!p1 $0x600, s4;
	[sflag:s5] =	ssyncset.done @!p1 $0x0  }
0x87: {  	s4 =	sadd.s32 @!p1 $0x680, s4;
	[sflag:s5] =	ssyncadd.s32 @!p1 $0xFFFFC000;
	s5 =	simm.s32 @!p1 $0x10400  }
0x88: {  	[tilespmem:s20], [sflag:$0x3] =	stream.indirect.gather @!p1 [hbm4b:s3+s21], $0x40, s10, s21, $0xb8;
	[tilespmem:$0x16400] =	vst v63  }
0x89: {  	[tilespmem:s5], [sflag:$0x3] =	stream.indirect.gather @!p1 [hbm4b:s3+s21], $0x40, s4, s21, $0xb8;
	[tilespmem:$0x16400] =	vst v63  }
0x8a: {  	s0 =	simm.s32 $0x5  }
0x8b: {  	_ =	swait.ge [sflag:s0], $0x4000  }
0x8c: {  	[sflag:s0] =	ssyncset.done $0x0  }
0x8d: {  	[sflag:s0] =	ssyncadd.s32 $0xFFFFC000  }
0x8e: {  	_ =	swait.ge [sflag:s29], $0x4000  }
0x8f: {  	[sflag:s29] =	ssyncset.done $0x0  }
0x90: {  	[sflag:s29] =	ssyncadd.s32 $0xFFFFC000  }
0x91: {  	_ =	swait.ge [sflag:s30], $0x4000  }
0x92: {  	[sflag:s30] =	ssyncset.done $0x0  }
0x93: {  	[sflag:s30] =	ssyncadd.s32 $0xFFFFC000  }
0x94: {  	_ =	swait.ge [sflag:s31], $0x4000  }
0x95: {  	s1 =	sadd.s32 $0x1, s1;
	s28 =	rddreg [dreg:$0x5]  }
0x96: {  	p0 =	sne.s32 s1, s28  }
.Ltmp1:
0x97: {  	_ = 	snop;
	(pc) =	sbr.rel @p0 .LBB2_1-.Ltmp1, $3  }
0x98: {  	_ =	sdelay $0x1  }
0x99: {  	[sflag:s31] =	ssyncset.done $0x0  }
0x9a: {  	[sflag:s31] =	ssyncadd.s32 $0xFFFFC000  }
0x9b: {  	_ =	sfence.sel $0x180000  }
0x9c: {  	[bflag:$0x0] =	sbarrier.arrive $0xFFFF  }
0x9d: {  	_ =	strace $0x9000004A  }
0x9e: {  	s0 =	stileid.u32;
	[bflag:$0x2] =	sbarrier.arrive $0xFFFF  }
0x9f: {  	p0 =	sne.s32 s0, $0x0;
	s0 =	rddreg [dreg:$0x2]  }
0xa0: {  	s0 =	sadd.s32 @!p0 $0x100000, s0  }
0xa1: {  	[sflag:s0] =	ssyncadd.tile.s32 @!p0 $0x1;
	_ =	shalt  }
.Lfunc_end2:
_tile_overlayer_lowered:
.L_overlay_start_2:
0xa2: {  	(tag) =	ssettag $0x2  }
0xa3: {  	s0 =	rddreg [dreg:$0x0];
	s2 =	stileid.u32  }
0xa4: {  	s1 =	rddreg [dreg:$0x1];
	p0 =	sne.s32 s2, $0x0  }
0xa5: {  	s3 =	rddreg [dreg:$0x2];
	[bflag:$0x3] =	sbarrier.arrive $0xFFFF;
	s2 =	simm.s32 @!p0 $0x1C09  }
0xa6: {  	[timem:s3], [sflag:s2] =	dma.local @!p0 [hbm:s0], s1  }
0xa7: {  	s0 =	simm.s32 @!p0 $0x9  }
0xa8: {  	_ =	swait.ge @!p0 [sflag:s0], s1  }
0xa9: {  	s1 =	ssub.s32 @!p0 $0x0, s1;
	[sflag:s0] =	ssyncset.done @!p0 $0x0  }
0xaa: {  	[sflag:s0] =	ssyncadd.s32 @!p0 s1  }
0xab: {  	[bflag:$0x3] =	sbarrier.arrive $0xFFFF  }
0xac: {  	_ =	shalt  }

// kernel: sparse-core-data-format-call.1.cloned.1.call-start
scs
called_computation.1_lowered:
.L_overlay_start_0:
0x0: {  	s1 =	sld [smem:$0x3FD9]  }
0x1: {  	s2 =	sld [smem:$0x3FFE];
	_ =	sdelay $0x1  }
0x2: {  	s3 =	srdreg.scid  }
0x3: {  	s0 =	sand.u32 $0x1, s3  }
0x4: {  	s17 =	sshll.u32 s0, $0xA;
	s1 =	sadd.s32 s2, s1  }
0x5: {  	s1 =	sadd.s32 s1, s17  }
0x6: {  	[smem:$0x3FC6] =	sst s1  }
0x7: {  	_ = 	snop  }
0x8: {  	(tm) =	ssettm $0x1  }
0x9: {  	s18 =	sld [smem:$0x3FFB];
	_ =	sdelay $0x3  }
0xa: {  	_ =	strace s18  }
0xb: {  	s1 =	sld [smem:$0x3FFC];
	_ =	sdelay $0x3  }
0xc: {  	_ =	strace s1  }
0xd: {  	s1 =	sld [smem:$0x3FFD];
	_ =	sdelay $0x3  }
0xe: {  	_ =	strace s1  }
0xf: {  	_ =	strace $0x8FFFFFFF  }
0x10: {  	s19 =	sld [smem:$0x3FDB];
	_ =	sdelay $0x1  }
0x11: {  	s20 =	simm.s32 $_scs_section_size  }
0x12: {  	s4 =	simm.s32 $_size__tile_overlayer_lowered;
	s5 =	simm.s32 $_tile_overlayer_lowered  }
0x13: {  	s23 =	simm.s32 $0x1BFF;
	s22 =	sshll.u32 s5, $0x1;
	s1 =	sadd.s32 s20, s19  }
0x14: {  	s6 =	simm.s32 $0x0;
	s21 =	sshll.u32 s4, $0x1;
	s4 =	sadd.s32 s22, s1  }
0x15: {  	[timem:s6], [sflag:s23] =	dma.local [hbm:s4], s21  }
0x16: {  	_ =	swait.ge [sflag:s23], s21  }
0x17: {  	s2 =	ssub.s32 $0x0, s21;
	[sflag:s23] =	ssyncset.done $0x0  }
0x18: {  	[sflag:s23] =	ssyncadd.s32 s2;
	_ =	sdelay $0x1  }
0x19: {  	s24 =	simm.s32 $0x1B8B  }
0x1a: {  	_ =	swait.ge [sflag:s24], $0x1  }
0x1b: {  	[sflag:s24] =	ssyncset.done $0x0  }
0x1c: {  	s26 =	simm.s32 $0x1B8E;
	s25 =	sld [smem:$0x3FFE];
	[sflag:s24] =	ssyncadd.s32 $0xFFFFFFFF  }
0x1d: {  	s27 =	simm.s32 $execute0_lowered;
	[smem:$0x3FD2] =	sst s26  }
0x1e: {  	s4 =	sshll.u32 s27, $0x1;
	_ =	strace $0x80000046;
	[dreg:$0x1] =	wrdreg $0xFFFFFFFF  }
0x1f: {  	s28 =	simm.s32 $_size_execute0_lowered;
	s1 =	sadd.s32 s1, s4;
	[dreg:$0x0] =	wrdreg $0x0  }
0x20: {  	s4 =	sshll.u32 s28, $0x1;
	[dreg:$0x2] =	wrdreg s1  }
0x21: {  	[dreg:$0x3] =	wrdreg s4  }
0x22: {  	[dreg:$0x4] =	wrdreg $0xC0  }
0x23: {  	_ =	task [dreg:s6], $0x5FFFF  }
0x24: {  	[dreg:$0x1] =	wrdreg $0xFFFFFFFF  }
0x25: {  	[dreg:$0x0] =	wrdreg $0x60  }
0x26: {  	[dreg:$0x2] =	wrdreg s25  }
0x27: {  	[dreg:$0x3] =	wrdreg $0x9  }
0x28: {  	_ =	task.clear_ibuf [dreg:s6], $0x4FFFF;
	_ =	strace $0x90000046  }
0x29: {  	s29 =	simm.s32 $0x9;
	_ =	strace $0x80000048  }
0x2a: {  	_ =	swait.ge [sflag:s29], $0x1  }
0x2b: {  	[sflag:s29] =	ssyncadd.s32 $0xFFFFFFFF  }
0x2c: {  	_ =	strace $0x90000048  }
0x2d: {  	_ =	sfence  }
0x2e: {  	s30 =	sld [smem:$0x0];
	_ =	sdelay $0x2  }
0x2f: {  	s31 =	sshll.u32 s3, $0xD;
	s3 =	sshrl.u32 s3, $0x2  }
0x30: {  	s2 =	sand.u32 $0x4000, s31;
	s1 =	sadd.s32 s3, s30  }
0x31: {  	s0 =	sor.u32 s2, s0;
	s1 =	sshll.u32 s1, $0x11  }
0x32: {  	s0 =	sor.u32 s1, s0  }
0x33: {  	s0 =	sadd.s32 $0x8F2B, s0  }
0x34: {  	[sflag:s0] =	ssyncadd.remote.s32 $0x1  }
0x35: {  	_ =	sfence.sel $0xFFFF  }
0x36: {  	[dreg:$0x0] =	wrdreg $0xFFFFFFFF;
	(pc) =	sbr.abs _section_cstart, $3  }
0x37: {  	[dreg:$0x1] =	wrdreg $0xFFFFFFFF  }
0x38: {  	_ =	task.clear_ibuf [dreg:s6], $0x2FFFF;
	_ =	strace $0x9FFFFFFF  }
0x39: {  	(tm) =	ssettm $0x7FFFFFFF  }
tec
execute0_lowered:
.L_overlay_start_1:
0x0: {  	(tag) =	ssettag $0x1  }
0x1: {  	s0 =	srdreg.scid  }
0x2: {  	s4 =	rddreg [dreg:$0x0];
	s1 =	stileid.u32  }
0x3: {  	s5 =	simm.s32 $0x1;
	s7 =	simm.s32 $0x2;
	s14 =	simm.s32 $0x0  }
0x4: {  	p0 =	por $0x0, $0x0;
	s13 =	simm.s32 $0x0;
	s0 =	sshll.u32 s0, $0x4  }
0x5: {  	s8 =	simm.s32 $0x0;
	s9 =	simm.s32 $0x0;
	s2 =	sand.u32 $0x10, s0  }
.Ltmp0:
0x6: {  	s11 =	simm.s32 $0x0;
	s3 =	sor.u32 s1, s2;
	(pc) =	sbr.rel .LBB1_1-.Ltmp0, $4  }
0x7: {  	s12 =	simm.s32 $0x0;
	s0 =	rddreg [dreg:$0x1];
	s3 =	sshll.u32 s3, $0x7  }
0x8: {  	_ =	strace $0x80000047;
	s2 =	sadd.s32 $0xE00, s4;
	s6 =	ssub.s32 $0xF4200, s3  }
0x9: {  	s4 =	sadd.s32 $0xF43600, s4;
	[sflag:s5] =	ssyncpa.u1 $0x0;
	s6 =	sshrl.u32 s6, $0xC  }
0xa: {  	[sflag:s7] =	ssyncpa.u1 $0x0;
	s10 =	smov.u32 s3;
	s7 =	sadd.s32 $0x2, s6  }
.LBB1_5:
0xb: {  	p1 =	slt.u32 s12, $0x2  }
0xc: {  	p2 =	sgt.s32 @!p1 s14, $0xF41C0  }
0xd: {  	s15 =	smov.u32 s14;
	s16 =	sshra.s32 @!p1 s14, $0x1F;
	p2 =	por !p2, p1  }
0xe: {  	s14 =	sand.u32 @!p1 s16, s14;
	s15 =	simm.s32 @p2 $0xF41C0  }
0xf: {  	s14 =	ssub.s32 @!p1 s15, s14;
	s15 =	ssub.s32 @!p1 $0x0, s13  }
0x10: {  	s17 =	smov.u32 s11;
	s16 =	sadd.s32 @!p1 $0xFFF0BE40, s14;
	s13 =	smin.u32 @!p1 s13, s15  }
0x11: {  	s14 =	ssub.s32 @!p1 $0xF4240, s14;
	p2 =	sgt.s32 @!p1 s16, $0x7F;
	p3 =	sgt.s32 @!p1 s13, $0x7F  }
0x12: {  	s13 =	ssub.s32 @!p1 $0x80, s13;
	p2 =	por !p2, p1;
	p3 =	por !p3, p1  }
0x13: {  	s15 =	sadd.s32 $0x1000, s10;
	s14 =	simm.s32 @!p2 $0x0;
	s13 =	simm.s32 @!p3 $0x0  }
0x14: {  	p2 =	sgt.s32 s15, $0xF423F;
	s13 =	smul.u32 @!p1 s13, s14;
	s14 =	sadd.s32 $0x80, s11  }
0x15: {  	s17 =	smov.u32 @p2 s14  }
0x16: {  	s15 =	smov.u32 @p2 s3;
	p2 =	sgt.s32 s17, $0x7F  }
0x17: {  	s17 =	simm.s32 @p2 $0x0;
	p2 =	sne.s32 s12, s7  }
.Ltmp1:
0x18: {  	p0 =	por !p0, !p0;
	s16 =	simm.s32 @!p1 $0x2;
	(pc) =	sbr.rel @!p2 .LBB1_6-.Ltmp1, $4  }
0x19: {  	s14 =	smov.u32 s8;
	s8 =	smov.u32 s10;
	s13 =	sand.u32 @!p1 $0x3FFFFFFF, s13  }
0x1a: {  	s10 =	smov.u32 s15;
	_ =	swait.ge @!p1 [sflag:s16], s13;
	s18 =	ssub.s32 @!p1 $0x0, s13  }
0x1b: {  	s13 =	smov.u32 s9;
	s12 =	sadd.s32 $0x1, s12;
	[sflag:s16] =	ssyncset.done @!p1 $0x0  }
0x1c: {  	s9 =	smov.u32 s11;
	s11 =	smov.u32 s17;
	[sflag:s16] =	ssyncadd.s32 @!p1 s18  }
.LBB1_1:
0x1d: {  	p1 =	sgt.u32 s12, s6  }
0x1e: {  	s15 =	sshrl.u32 @!p1 s11, $0x3  }
0x1f: {  	s16 =	sshll.u32 @!p1 s10, $0x3;
	s15 =	smul.u32 @!p1 $0x7A1400, s15  }
0x20: {  	s17 =	sshll.u32 @!p1 s11, $0x7;
	s16 =	sand.u32 @!p1 $0xFFFFFC00, s16  }
0x21: {  	s15 =	sadd.s32 @!p1 s15, s16;
	s16 =	sand.u32 @!p1 $0x380, s17  }
0x22: {  	s17 =	sand.u32 @!p1 $0x7F, s10;
	s15 =	sor.u32 @!p1 s16, s15  }
0x23: {  	s16 =	sor.u32 @!p1 s17, s15  }
0x24: {  	s17 =	smulhi.u32 @!p1 $0x218D6287, s16;
	_ =	sdelay $0x1  }
0x25: {  	s15 =	smulhi.u32 @!p1 $0x218D6287, s15;
	s17 =	sshrl.u32 @!p1 s17, $0x11  }
0x26: {  	s17 =	smul.u32 @!p1 $0xF4280, s17  }
0x27: {  	s18 =	sxor.u32 @!p1 $0xFFFFFFFF, s12;
	s15 =	sshrl.u32 @!p1 s15, $0x11  }
0x28: {  	s18 =	sshll.u32 @!p1 s18, $0xE;
	s15 =	sand.u32 @!p1 $0x7F, s15;
	s16 =	ssub.s32 @!p1 s16, s17  }
0x29: {  	s15 =	smul.u32 @!p1 $0x1E850, s15;
	s17 =	sshrl.u32 @!p1 s16, $0x3;
	s16 =	sand.u32 @!p1 $0x7, s16  }
0x2a: {  	s18 =	sand.u32 @!p1 $0x4000, s18;
	s17 =	sadd.s32 @!p1 s2, s17;
	s16 =	sshll.u32 @!p1 s16, $0x12  }
0x2b: {  	s15 =	sadd.s32 @!p1 s15, s17;
	s16 =	sor.u32 @!p1 $0x400, s16;
	s17 =	simm.s32 @!p1 $0x7A1400  }
0x2c: {  	[tilespmem:s18], [sflag:$0x1] =	stream.strided.gather @!p1 [hbm4b:s15+s16], $0x4000, s17, s16, $0x38;
	[tilespmem:$0x10100] =	vst v63  }
0x2d: {  	p1 =	seq.s32 s12, $0x0  }
0x2e: {  	p2 =	sge.u32 @!p1 s12, s7  }
0x2f: {  	p1 =	por p1, p2  }
.Ltmp2:
0x30: {  	_ = 	snop;
	(pc) =	sbr.rel @p1 .LBB1_5-.Ltmp2, $1  }
0x31: {  	_ =	sdelay $0x3  }
0x32: {  	s15 =	simm.s32 $0x1  }
0x33: {  	_ =	swait.ge [sflag:s5], $0x4000;
	s15 =	simm.s32 @!p0 $0x0  }
0x34: {  	[sflag:s5] =	ssyncset.done $0x0;
	s16 =	sshll.u32 s15, $0xE  }
0x35: {  	[sflag:s5] =	ssyncadd.s32 $0xFFFFC000;
	s16 =	sor.u32 $0x40, s16  }
0x36: {  	s15 =	smul.u32 $0x10200, s15;
	v0 =	vld [tilespmem:s16+$0x30]  }
0x37: {  	v1 =	vld [tilespmem:s16+$0xFFFFFFD0]  }
0x38: {  	s15 =	sshrl.u32 s15, $0x2;
	v5 =	vld [tilespmem:s16+$0xFFFFFFE0]  }
0x39: {  	v6 =	vld [tilespmem:s16+$0xFFFFFFF0];
	s18 =	sor.u32 $0x8000, s15  }
0x3a: {  	s31 =	sand.u32 $0x1, s12;
	v4 =	vld [tilespmem:s16+$0x0];
	s17 =	sadd.s32 $0x0, s18  }
0x3b: {  	v3 =	vld [tilespmem:s16+$0x10];
	s15 =	smul.u32 $0x10200, s31;
	[tilespmem:s17+$0x3870 ss:$0x81] =	vst.msk $0xffff, v0  }
0x3c: {  	v2 =	vld [tilespmem:s16+$0x20];
	[tilespmem:s17+$0x810 ss:$0x81] =	vst.msk $0xffff, v1  }
0x3d: {  	s15 =	sshrl.u32 s15, $0x2;
	v0 =	vld [tilespmem:s16+$0xFFFFFFC0];
	[tilespmem:s17+$0x1020 ss:$0x81] =	vst.msk $0xffff, v5;
	s16 =	sadd.s32 $0x80, s16  }
0x3e: {  	s19 =	simm.s32 $0x4;
	s20 =	simm.s32 $0x8;
	s15 =	sor.u32 $0x8000, s15;
	[tilespmem:s17+$0x1830 ss:$0x81] =	vst.msk $0xffff, v6;
	v1 =	vld [tilespmem:s16+$0x30]  }
.LBB1_3:
0x3f: {  	p1 =	sne.s32 s20, $0x1FC;
	v5 =	vld [tilespmem:s16+$0xFFFFFFD0];
	[tilespmem:s17+$0x2040 ss:$0x81] =	vst.msk $0xffff, v4  }
0x40: {  	v6 =	vld [tilespmem:s16+$0xFFFFFFE0];
	[tilespmem:s17+$0x2850 ss:$0x81] =	vst.msk $0xffff, v3  }
0x41: {  	s21 =	sshra.s32 s19, $0x2;
	s19 =	smov.u32 s20;
	v7 =	vld [tilespmem:s16+$0xFFFFFFF0];
	[tilespmem:s17+$0x3060 ss:$0x81] =	vst.msk $0xffff, v2  }
.Ltmp3:
0x42: {  	v4 =	vld [tilespmem:s16+$0x0];
	[tilespmem:s17+$0x0 ss:$0x81] =	vst.msk $0xffff, v0;
	s17 =	sadd.s32 s21, s18;
	(pc) =	sbr.rel @p1 .LBB1_3-.Ltmp3, $4  }
0x43: {  	v3 =	vld [tilespmem:s16+$0x10];
	[tilespmem:s17+$0x3870 ss:$0x81] =	vst.msk $0xffff, v1  }
0x44: {  	[tilespmem:s17+$0x810 ss:$0x81] =	vst.msk $0xffff, v5;
	v2 =	vld [tilespmem:s16+$0x20]  }
0x45: {  	v0 =	vld [tilespmem:s16+$0xFFFFFFC0];
	[tilespmem:s17+$0x1020 ss:$0x81] =	vst.msk $0xffff, v6;
	s16 =	sadd.s32 $0x80, s16  }
0x46: {  	s20 =	sadd.s32 $0x4, s20;
	v1 =	vld [tilespmem:s16+$0x30];
	[tilespmem:s17+$0x1830 ss:$0x81] =	vst.msk $0xffff, v7  }
0x47: {  	s20 =	sshll.u32 s8, $0x7;
	s21 =	sshll.u32 s9, $0x3;
	s19 =	sshra.s32 s19, $0x2  }
0x48: {  	v5 =	vld [tilespmem:s16+$0xFFFFFFD0];
	[tilespmem:s17+$0x2040 ss:$0x81] =	vst.msk $0xffff, v4;
	p1 =	sgt.s32 s8, $0xF41C0;
	s22 =	sand.u32 $0xFFFFFC00, s20;
	s21 =	sand.u32 $0xFFFFFC00, s21  }
0x49: {  	v58 =	vld [tilespmem:s16+$0xFFFFFFE0];
	s24 =	sshra.s32 s8, $0x1F;
	s20 =	sand.u32 $0x380, s20;
	[tilespmem:s17+$0x2850 ss:$0x81] =	vst.msk $0xffff, v3;
	s21 =	sadd.s32 s21, s22  }
0x4a: {  	v59 =	vld [tilespmem:s16+$0xFFFFFFF0];
	s26 =	ssub.s32 $0x0, s9;
	s18 =	sadd.s32 s19, s18;
	[tilespmem:s17+$0x3060 ss:$0x81] =	vst.msk $0xffff, v2;
	s23 =	sor.u32 s20, s21  }
0x4b: {  	v60 =	vld [tilespmem:s16+$0x0];
	s28 =	smin.u32 s9, s26;
	s20 =	smov.u32 s8;
	[tilespmem:s17+$0x0 ss:$0x81] =	vst.msk $0xffff, v0;
	s19 =	sshrl.u32 s23, $0x7  }
0x4c: {  	v61 =	vld [tilespmem:s16+$0x10];
	s21 =	sand.u32 s24, s8;
	s20 =	simm.s32 @!p1 $0xF41C0;
	[tilespmem:s18+$0x3870 ss:$0x81] =	vst.msk $0xffff, v1;
	s25 =	smulhi.u32 $0x218DEF5, s19  }
0x4d: {  	v62 =	vld [tilespmem:s16+$0x20];
	s29 =	sshrl.u32 s9, $0x3;
	p2 =	sgt.s32 s28, $0x7F;
	s20 =	ssub.s32 s20, s21;
	[tilespmem:s18+$0x810 ss:$0x81] =	vst.msk $0xffff, v5  }
0x4e: {  	v63 =	vld [tilespmem:s16+$0xFFFFFFC0];
	[tilespmem:s18+$0x1020 ss:$0x81] =	vst.msk $0xffff, v58;
	s21 =	sadd.s32 $0xFFF0BE40, s20;
	s20 =	ssub.s32 $0xF4240, s20;
	s17 =	sshrl.u32 s25, $0xD  }
0x4f: {  	[tilespmem:s18+$0x1830 ss:$0x81] =	vst.msk $0xffff, v59;
	p1 =	sgt.s32 s21, $0x7F;
	s27 =	smul.u32 $0xF4240, s17;
	s17 =	ssub.s32 $0x80, s28  }
.Ltmp4:
0x50: {  	[tilespmem:s18+$0x2040 ss:$0x81] =	vst.msk $0xffff, v60;
	s20 =	simm.s32 @p1 $0x0;
	s17 =	simm.s32 @p2 $0x0;
	(pc) =	sbr.rel .LBB1_5-.Ltmp4, $4  }
0x51: {  	s30 =	sand.u32 $0xF, s29;
	[tilespmem:s18+$0x2850 ss:$0x81] =	vst.msk $0xffff, v61;
	s16 =	ssub.s32 s19, s27;
	s17 =	smul.u32 s17, s20  }
0x52: {  	[tilespmem:s18+$0x3060 ss:$0x81] =	vst.msk $0xffff, v62;
	s19 =	sadd.s32 s4, s30;
	s16 =	sshll.u32 s16, $0x4  }
0x53: {  	s31 =	sand.u32 $0x7, s9;
	[tilespmem:s18+$0x0 ss:$0x81] =	vst.msk $0xffff, v63;
	s17 =	sand.u32 $0x3FFFFFFF, s17;
	s16 =	sadd.s32 s16, s19  }
0x54: {  	[hbm4b:s16+s31] =	stream.linear.scatter [tilespmem:s15], [sflag:$0x2], s17, $0x20;
	[tilespmem:$0x10100] =	vst v63  }
.LBB1_6:
0x55: {  	_ =	sfence.sel $0x180000  }
0x56: {  	s2 =	simm.s32 $0x1;
	[bflag:$0x0] =	sbarrier.arrive $0xFFFF  }
0x57: {  	s31 =	simm.s32 $0x2;
	[sflag:s2] =	ssyncpa.u1 $0x1  }
0x58: {  	[sflag:s31] =	ssyncpa.u1 $0x1  }
0x59: {  	p0 =	sne.s32 s1, $0x0;
	_ =	strace $0x90000047  }
0x5a: {  	s0 =	sadd.s32 @!p0 $0x100000, s0;
	[bflag:$0x2] =	sbarrier.arrive $0xFFFF  }
0x5b: {  	[sflag:s0] =	ssyncadd.tile.s32 @!p0 $0x1;
	_ =	shalt  }
.Lfunc_end1:
_tile_overlayer_lowered:
.L_overlay_start_2:
0x5c: {  	(tag) =	ssettag $0x2  }
0x5d: {  	s0 =	rddreg [dreg:$0x0];
	s2 =	stileid.u32  }
0x5e: {  	s1 =	rddreg [dreg:$0x1];
	p0 =	sne.s32 s2, $0x0  }
0x5f: {  	s3 =	rddreg [dreg:$0x2];
	[bflag:$0x3] =	sbarrier.arrive $0xFFFF;
	s2 =	simm.s32 @!p0 $0x1C01  }
0x60: {  	[timem:s3], [sflag:s2] =	dma.local @!p0 [hbm:s0], s1  }
0x61: {  	s0 =	simm.s32 @!p0 $0x1  }
0x62: {  	_ =	swait.ge @!p0 [sflag:s0], s1  }
0x63: {  	s1 =	ssub.s32 @!p0 $0x0, s1;
	[sflag:s0] =	ssyncset.done @!p0 $0x0  }
0x64: {  	[sflag:s0] =	ssyncadd.s32 @!p0 s1  }
0x65: {  	[bflag:$0x3] =	sbarrier.arrive $0xFFFF  }
0x66: {  	_ =	shalt  }

// kernel: sparse-core-data-format-call.cloned.1.call-start
scs
called_computation_lowered:
.L_overlay_start_0:
0x0: {  	s2 =	sld [smem:$0x3FD9]  }
0x1: {  	s3 =	sld [smem:$0x3FFE];
	_ =	sdelay $0x1  }
0x2: {  	s1 =	srdreg.scid  }
0x3: {  	s0 =	sand.u32 $0x1, s1  }
0x4: {  	s18 =	sshll.u32 s0, $0xA;
	s2 =	sadd.s32 s3, s2  }
0x5: {  	s2 =	sadd.s32 s2, s18  }
0x6: {  	[smem:$0x3FC6] =	sst s2  }
0x7: {  	_ = 	snop  }
0x8: {  	s2 =	sld [smem:$0x3FD0];
	(tm) =	ssettm $0x1  }
0x9: {  	s19 =	sld [smem:$0x3FFB];
	_ =	sdelay $0x3  }
0xa: {  	_ =	strace s19  }
0xb: {  	s3 =	sld [smem:$0x3FFC];
	_ =	sdelay $0x3  }
0xc: {  	_ =	strace s3  }
0xd: {  	s3 =	sld [smem:$0x3FFD];
	_ =	sdelay $0x3  }
0xe: {  	_ =	strace s3  }
0xf: {  	_ =	strace $0x8FFFFFFF  }
0x10: {  	s20 =	sld [smem:$0x3FDB];
	_ =	sdelay $0x1  }
0x11: {  	s4 =	simm.s32 $_scs_section_size  }
0x12: {  	s5 =	simm.s32 $_size__tile_overlayer_lowered;
	s6 =	simm.s32 $_tile_overlayer_lowered  }
0x13: {  	s23 =	simm.s32 $0x1BFF;
	s22 =	sshll.u32 s6, $0x1;
	s3 =	sadd.s32 s4, s20  }
0x14: {  	s7 =	simm.s32 $0x0;
	s21 =	sshll.u32 s5, $0x1;
	s5 =	sadd.s32 s22, s3  }
0x15: {  	[timem:s7], [sflag:s23] =	dma.local [hbm:s5], s21  }
0x16: {  	_ =	swait.ge [sflag:s23], s21  }
0x17: {  	s4 =	ssub.s32 $0x0, s21;
	[sflag:s23] =	ssyncset.done $0x0  }
0x18: {  	[sflag:s23] =	ssyncadd.s32 s4;
	_ =	sdelay $0x1  }
0x19: {  	s24 =	simm.s32 $0x1B8B  }
0x1a: {  	_ =	swait.ge [sflag:s24], $0x1  }
0x1b: {  	[sflag:s24] =	ssyncset.done $0x0  }
0x1c: {  	s26 =	simm.s32 $0x1B8E;
	s25 =	sld [smem:$0x3FFE];
	[sflag:s24] =	ssyncadd.s32 $0xFFFFFFFF  }
0x1d: {  	s27 =	simm.s32 $execute0_lowered;
	[smem:$0x3FD2] =	sst s26  }
0x1e: {  	s5 =	sshll.u32 s27, $0x1;
	_ =	strace $0x8000004C;
	[dreg:$0x1] =	wrdreg $0xFFFFFFFF  }
0x1f: {  	s28 =	simm.s32 $_size_execute0_lowered;
	s3 =	sadd.s32 s3, s5;
	[dreg:$0x0] =	wrdreg $0x0  }
0x20: {  	s5 =	sshll.u32 s28, $0x1;
	[dreg:$0x2] =	wrdreg s3  }
0x21: {  	[dreg:$0x3] =	wrdreg s5  }
0x22: {  	[dreg:$0x4] =	wrdreg $0xC0  }
0x23: {  	_ =	task [dreg:s7], $0x5FFFF  }
0x24: {  	[dreg:$0x1] =	wrdreg $0xFFFFFFFF  }
0x25: {  	[dreg:$0x0] =	wrdreg $0x60  }
0x26: {  	[dreg:$0x2] =	wrdreg s25  }
0x27: {  	[dreg:$0x3] =	wrdreg s2  }
0x28: {  	[dreg:$0x4] =	wrdreg $0x9  }
0x29: {  	_ =	task.clear_ibuf [dreg:s7], $0x5FFFF;
	_ =	strace $0x9000004C  }
0x2a: {  	s29 =	simm.s32 $0x9;
	_ =	strace $0x8000004E  }
0x2b: {  	_ =	swait.ge [sflag:s29], $0x1  }
0x2c: {  	[sflag:s29] =	ssyncadd.s32 $0xFFFFFFFF  }
0x2d: {  	_ =	strace $0x9000004E  }
0x2e: {  	_ =	sfence  }
0x2f: {  	s30 =	sld [smem:$0x0];
	_ =	sdelay $0x2  }
0x30: {  	s31 =	sshll.u32 s1, $0xD;
	s1 =	sshrl.u32 s1, $0x2  }
0x31: {  	s3 =	sand.u32 $0x4000, s31;
	s1 =	sadd.s32 s1, s30  }
0x32: {  	s0 =	sor.u32 s3, s0;
	s1 =	sshll.u32 s1, $0x11  }
0x33: {  	s0 =	sor.u32 s1, s0  }
0x34: {  	s0 =	sadd.s32 $0x8F2B, s0  }
0x35: {  	[sflag:s0] =	ssyncadd.remote.s32 $0x1  }
0x36: {  	_ =	sfence.sel $0xFFFF  }
0x37: {  	[dreg:$0x0] =	wrdreg $0xFFFFFFFF;
	(pc) =	sbr.abs _section_cstart, $3  }
0x38: {  	[dreg:$0x1] =	wrdreg $0xFFFFFFFF  }
0x39: {  	_ =	task.clear_ibuf [dreg:s7], $0x2FFFF;
	_ =	strace $0x9FFFFFFF  }
0x3a: {  	(tm) =	ssettm $0x7FFFFFFF  }
0x3b: {  	_ =	shalt  }
tec
execute0_lowered:
.L_overlay_start_1:
0x0: {  	(tag) =	ssettag $0x1  }
0x1: {  	s0 =	srdreg.scid  }
0x2: {  	s1 =	sshll.u32 s0, $0x4  }
0x3: {  	s0 =	stileid.u32;
	s1 =	sand.u32 $0x10, s1  }
0x4: {  	s1 =	sor.u32 s0, s1  }
0x5: {  	s6 =	rddreg [dreg:$0x0];
	s4 =	simm.s32 $0x1;
	s2 =	sshll.u32 s1, $0x7  }
0x6: {  	s7 =	simm.s32 $0x2;
	s12 =	simm.s32 $0x0;
	s1 =	ssub.s32 $0x4000, s2  }
0x7: {  	s8 =	simm.s32 $0x20000;
	s13 =	simm.s32 $0x0;
	s3 =	sand.u32 $0xF80, s1  }
0x8: {  	s9 =	simm.s32 $0x0;
	s5 =	sshrl.u32 s1, $0xC;
	p0 =	sne.s32 s3, $0x0  }
.Ltmp0:
0x9: {  	s1 =	rddreg [dreg:$0x2];
	s4 =	simm.s32 @!p0 $0x0;
	(pc) =	sbr.rel .LBB1_1-.Ltmp0, $4  }
0xa: {  	s11 =	simm.s32 $0x0;
	s3 =	rddreg [dreg:$0x1];
	s5 =	sadd.s32 s4, s5  }
0xb: {  	_ =	strace $0x8000004D;
	s4 =	simm.s32 $0x1;
	s5 =	smul.u32 $0x32, s5  }
0xc: {  	s6 =	sadd.s32 $0xE00, s6;
	s10 =	smov.u32 s2;
	[sflag:s4] =	ssyncpa.u1 $0x0  }
0xd: {  	p0 =	por $0x0, $0x0;
	[sflag:s7] =	ssyncpa.u1 $0x0;
	s7 =	sor.u32 $0x1, s5  }
.LBB1_4:
0xe: {  	s16 =	sshll.u32 s13, $0x3;
	s17 =	sand.u32 $0x78, s13  }
0xf: {  	s30 =	sand.u32 $0x1F800, s13;
	s12 =	sshll.u32 s12, $0x11;
	s16 =	sand.u32 $0x3C00, s16  }
0x10: {  	[tilespmem:s15+$0x810 ss:$0x81] =	vst.msk $0xffff, v2;
	s31 =	sand.u32 $0x7, s13;
	s16 =	sor.u32 s17, s16;
	s17 =	sadd.s32 s3, s30  }
0x11: {  	[tilespmem:s15+$0x1020 ss:$0x81] =	vst.msk $0xffff, v0;
	s13 =	sshll.u32 s31, $0x12;
	s12 =	sadd.s32 s12, s17;
	s16 =	sshrl.u32 s16, $0x3  }
0x12: {  	[tilespmem:s15+$0x0 ss:$0x81] =	vst.msk $0xffff, v1;
	s13 =	sor.u32 $0x400, s13;
	s12 =	sadd.s32 s16, s12  }
0x13: {  	[hbm4b:s12+s13] =	stream.strided.scatter [tilespmem:s14], [sflag:$0x2], $0x2000, s8, s13, $0x20;
	[tilespmem:$0x8080] =	vst v63  }
.LBB1_5:
0x14: {  	s14 =	sadd.s32 $0x1, s9  }
0x15: {  	s12 =	sadd.s32 $0x1000, s10;
	s16 =	smov.u32 s10;
	p2 =	sgt.s32 s14, $0x31  }
0x16: {  	s16 =	smov.u32 @p2 s12  }
0x17: {  	s14 =	simm.s32 @p2 $0x0;
	p2 =	sgt.s32 s16, $0x3FFF  }
0x18: {  	s16 =	smov.u32 @p2 s2;
	p2 =	sne.s32 s11, s7  }
.Ltmp1:
0x19: {  	p1 =	slt.u32 s11, $0x2;
	(pc) =	sbr.rel @!p2 .LBB1_6-.Ltmp1, $4  }
0x1a: {  	s15 =	simm.s32 @!p1 $0x2  }
0x1b: {  	s13 =	smov.u32 s10;
	p0 =	por !p0, !p0;
	_ =	swait.ge @!p1 [sflag:s15], $0x2000  }
0x1c: {  	s12 =	smov.u32 s9;
	[sflag:s15] =	ssyncset.done @!p1 $0x0;
	s9 =	smov.u32 s14  }
0x1d: {  	s11 =	sadd.s32 $0x1, s11;
	[sflag:s15] =	ssyncadd.s32 @!p1 $0xFFFFE000;
	s10 =	smov.u32 s16  }
.LBB1_1:
0x1e: {  	p1 =	sge.u32 s11, s5  }
0x1f: {  	s14 =	sand.u32 @!p1 $0x1FFFFFF, s9  }
0x20: {  	s15 =	smulhi.u32 @!p1 $0x4924925, s14;
	_ =	sdelay $0x1  }
0x21: {  	s15 =	smul.u32 @!p1 $0x38, s15  }
0x22: {  	s16 =	sxor.u32 @!p1 $0xFFFFFFFF, s11;
	s17 =	smul.u32 @!p1 $0x380, s10  }
0x23: {  	s31 =	sadd.s32 $0xFFFFFFFF, s11;
	s16 =	sshll.u32 @!p1 s16, $0xD;
	s14 =	ssub.s32 @!p1 s14, s15  }
0x24: {  	s15 =	sand.u32 @!p1 $0x2000, s16;
	s16 =	sadd.s32 @!p1 s6, s17;
	s14 =	sshll.u32 @!p1 s14, $0x4  }
0x25: {  	s17 =	simm.s32 @!p1 $0x1C00;
	s14 =	sadd.s32 @!p1 s14, s16;
	s16 =	simm.s32 @!p1 $0x40  }
0x26: {  	[tilespmem:s15], [sflag:$0x1] =	stream.strided.gather @!p1 [hbm4b:s14+s16], $0x2000, s17, s16, $0x38;
	[tilespmem:$0x8080] =	vst v63  }
0x27: {  	p1 =	sge.u32 s31, s5  }
.Ltmp2:
0x28: {  	_ = 	snop;
	(pc) =	sbr.rel @p1 .LBB1_5-.Ltmp2, $1  }
0x29: {  	_ =	sdelay $0x3  }
0x2a: {  	s14 =	simm.s32 $0x1  }
0x2b: {  	_ =	swait.ge [sflag:s4], $0x2000;
	s14 =	simm.s32 @!p0 $0x0  }
0x2c: {  	[sflag:s4] =	ssyncset.done $0x0;
	s15 =	sshll.u32 s14, $0xD  }
0x2d: {  	[sflag:s4] =	ssyncadd.s32 $0xFFFFE000;
	s18 =	sor.u32 $0x20, s15  }
0x2e: {  	s14 =	smul.u32 $0x8100, s14;
	v3 =	vld [tilespmem:s18+$0x10]  }
0x2f: {  	s30 =	sand.u32 $0x1, s11;
	v2 =	vld [tilespmem:s18+$0xFFFFFFF0]  }
0x30: {  	s15 =	smul.u32 $0x8100, s30;
	s14 =	sshrl.u32 s14, $0x2;
	v0 =	vld [tilespmem:s18+$0x0]  }
0x31: {  	v1 =	vld [tilespmem:s18+$0xFFFFFFE0];
	s16 =	sor.u32 $0x4000, s14  }
0x32: {  	s31 =	sshrl.u32 s15, $0x2;
	s15 =	sadd.s32 $0x0, s16  }
0x33: {  	s17 =	simm.s32 $0x4;
	s18 =	sadd.s32 $0x40, s18;
	s14 =	sor.u32 $0x4000, s31;
	[tilespmem:s15+$0x1830 ss:$0x81] =	vst.msk $0xffff, v3  }
.LBB1_3:
0x34: {  	v3 =	vld [tilespmem:s18+$0x10];
	p1 =	sne.s32 s17, $0x1FC;
	[tilespmem:s15+$0x810 ss:$0x81] =	vst.msk $0xffff, v2;
	s19 =	smov.u32 s17;
	s17 =	sadd.s32 $0x4, s17  }
.Ltmp3:
0x35: {  	v2 =	vld [tilespmem:s18+$0xFFFFFFF0];
	[tilespmem:s15+$0x1020 ss:$0x81] =	vst.msk $0xffff, v0;
	(pc) =	sbr.rel @p1 .LBB1_3-.Ltmp3, $4  }
0x36: {  	v0 =	vld [tilespmem:s18+$0x0];
	[tilespmem:s15+$0x0 ss:$0x81] =	vst.msk $0xffff, v1  }
0x37: {  	s15 =	sshra.s32 s19, $0x2;
	v1 =	vld [tilespmem:s18+$0xFFFFFFE0]  }
0x38: {  	s15 =	sadd.s32 s15, s16  }
0x39: {  	s18 =	sadd.s32 $0x40, s18;
	[tilespmem:s15+$0x1830 ss:$0x81] =	vst.msk $0xffff, v3  }
.Ltmp4:
0x3a: {  	_ = 	snop;
	(pc) =	sbr.rel .LBB1_4-.Ltmp4, $1  }
0x3b: {  	_ =	sdelay $0x3  }
.LBB1_6:
0x3c: {  	_ =	sfence.sel $0x180000  }
0x3d: {  	s2 =	simm.s32 $0x1;
	[bflag:$0x0] =	sbarrier.arrive $0xFFFF  }
0x3e: {  	s31 =	simm.s32 $0x2;
	[sflag:s2] =	ssyncpa.u1 $0x1  }
0x3f: {  	[sflag:s31] =	ssyncpa.u1 $0x1  }
0x40: {  	p0 =	sne.s32 s0, $0x0;
	_ =	strace $0x9000004D  }
0x41: {  	s0 =	sadd.s32 @!p0 $0x100000, s1;
	[bflag:$0x2] =	sbarrier.arrive $0xFFFF  }
0x42: {  	[sflag:s0] =	ssyncadd.tile.s32 @!p0 $0x1;
	_ =	shalt  }
.Lfunc_end1:
_tile_overlayer_lowered:
.L_overlay_start_2:
0x43: {  	(tag) =	ssettag $0x2  }
0x44: {  	s0 =	rddreg [dreg:$0x0];
	s2 =	stileid.u32  }
0x45: {  	s1 =	rddreg [dreg:$0x1];
	p0 =	sne.s32 s2, $0x0  }
0x46: {  	s3 =	rddreg [dreg:$0x2];
	[bflag:$0x3] =	sbarrier.arrive $0xFFFF;
	s2 =	simm.s32 @!p0 $0x1C01  }
0x47: {  	[timem:s3], [sflag:s2] =	dma.local @!p0 [hbm:s0], s1  }
0x48: {  	s0 =	simm.s32 @!p0 $0x1  }
0x49: {  	_ =	swait.ge @!p0 [sflag:s0], s1  }
0x4a: {  	s1 =	ssub.s32 @!p0 $0x0, s1;
	[sflag:s0] =	ssyncset.done @!p0 $0x0  }
0x4b: {  	[sflag:s0] =	ssyncadd.s32 @!p0 s1  }
0x4c: {  	[bflag:$0x3] =	sbarrier.arrive $0xFFFF  }
0x4d: {  	_ =	shalt  }

</sc_bundles>
